<compile_context>
chip_gen: v7x
topology: tpu7x:2x2x1
jax: 0.10.2.dev20260603
libtpu: 0.0.44.dev20260713+nightly
codegen_flags: <defaults>
</compile_context>

<pallas_src>
import functools

import jax
import jax.numpy as jnp
from jax import lax
from jax.experimental import pallas as pl
from jax.experimental.pallas import tpu as pltpu
from jax.experimental.pallas import tpu_sc as plsc

N_NODES = 10000
N_EDGES = 320000
F = 128
NC = 2
NS = 16
NW = NC * NS
EPW = N_EDGES // NW
CHUNK = 80
NCHUNK = EPW // CHUNK
NBUF = 4
NPAD = 10240
RPW = NPAD // NS
ZR = 32


def _sc_aggregate(x, ei_flat):
    mesh = plsc.VectorSubcoreMesh(core_axis_name="c", subcore_axis_name="s")

    @functools.partial(
        pl.kernel,
        mesh=mesh,
        out_type=[
            jax.ShapeDtypeStruct((NC * NPAD, F), jnp.float32),
            jax.ShapeDtypeStruct((NC * NPAD,), jnp.float32),
        ],
        scratch_types=(
            [pltpu.VMEM((CHUNK,), jnp.int32)] * NBUF
            + [pltpu.VMEM((CHUNK,), jnp.int32)] * NBUF
            + [pltpu.VMEM((CHUNK, F), jnp.float32)] * NBUF
            + [
                pltpu.VMEM((CHUNK,), jnp.float32),
                pltpu.VMEM((ZR, F), jnp.float32),
                pltpu.VMEM((RPW,), jnp.float32),
                pltpu.VMEM_SHARED((NPAD, F), jnp.float32),
                pltpu.VMEM_SHARED((NPAD,), jnp.float32),
            ]
            + [pltpu.SemaphoreType.DMA] * (3 * NBUF)
        ),
    )
    def agg(x_hbm, ei_hbm, sum_hbm, cnt_hbm, *rest):
        srcs = rest[0:NBUF]
        dsts = rest[NBUF:2 * NBUF]
        rows = rest[2 * NBUF:3 * NBUF]
        ones_v, zrow_v, zcnt_v, ssum, scnt = rest[3 * NBUF:3 * NBUF + 5]
        sems = rest[3 * NBUF + 5:]
        sem_i = sems[0:NBUF]
        sem_g = sems[NBUF:2 * NBUF]
        sem_s = sems[2 * NBUF:3 * NBUF]
        cid = lax.axis_index("c")
        sid = lax.axis_index("s")
        wid = sid * NC + cid

        zero16 = jnp.zeros((16,), jnp.float32)
        one16 = jnp.ones((16,), jnp.float32)

        def fill_zeros(i, carry):
            for j in range(F // 16):
                zrow_v[i, pl.ds(j * 16, 16)] = zero16
            return carry

        lax.fori_loop(0, ZR, fill_zeros, 0)

        def fill_ones(i, carry):
            ones_v[pl.ds(i * 16, 16)] = one16
            return carry

        lax.fori_loop(0, CHUNK // 16, fill_ones, 0)

        def fill_zcnt(i, carry):
            zcnt_v[pl.ds(i * 16, 16)] = zero16
            return carry

        lax.fori_loop(0, RPW // 16, fill_zcnt, 0)

        r0 = sid * RPW
        for q in range(RPW // ZR):
            pltpu.sync_copy(zrow_v, ssum.at[pl.ds(r0 + q * ZR, ZR)])
        pltpu.sync_copy(zcnt_v, scnt.at[pl.ds(r0, RPW)])

        plsc.subcore_barrier()

        ebase = wid * EPW

        def fire_idx(c, b):
            base = ebase + c * CHUNK
            pltpu.async_copy(ei_hbm.at[pl.ds(base, CHUNK)], srcs[b],
                             sem_i[b])
            pltpu.async_copy(ei_hbm.at[pl.ds(N_EDGES + base, CHUNK)], dsts[b],
                             sem_i[b])

        def wait_idx(b):
            pltpu.make_async_copy(ei_hbm.at[pl.ds(0, CHUNK)], srcs[b],
                                  sem_i[b]).wait()
            pltpu.make_async_copy(ei_hbm.at[pl.ds(0, CHUNK)], dsts[b],
                                  sem_i[b]).wait()

        def fire_gather(b):
            pltpu.async_copy(x_hbm.at[srcs[b]], rows[b], sem_g[b])

        def wait_gather(b):
            pltpu.make_async_copy(x_hbm.at[srcs[b]], rows[b],
                                  sem_g[b]).wait()

        def fire_scatter(b):
            pltpu.async_copy(rows[b], ssum.at[dsts[b]], sem_s[b], add=True)
            pltpu.async_copy(ones_v, scnt.at[dsts[b]], sem_s[b], add=True)

        def wait_scatter(b):
            pltpu.make_async_copy(rows[b], ssum.at[dsts[b]], sem_s[b]).wait()
            pltpu.make_async_copy(ones_v, scnt.at[dsts[b]], sem_s[b]).wait()

        def step(i, reuse):
            if reuse:
                wait_scatter(i % NBUF)
            fire_idx(i, i % NBUF)
            if i >= 1:
                wait_idx((i - 1) % NBUF)
                fire_gather((i - 1) % NBUF)
            if i >= 2:
                wait_gather((i - 2) % NBUF)
                fire_scatter((i - 2) % NBUF)

        for i in range(NBUF):
            step(i, False)

        K = (NCHUNK - NBUF) // NBUF

        def body(k, carry):
            c = NBUF * k
            for j in range(NBUF):
                wait_scatter(j)
                fire_idx(c + j, j)
                wait_idx((j - 1) % NBUF)
                fire_gather((j - 1) % NBUF)
                wait_gather((j - 2) % NBUF)
                fire_scatter((j - 2) % NBUF)
            return carry

        lax.fori_loop(1, K + 1, body, 0)

        for i in range(NBUF * (K + 1), NCHUNK):
            step(i, True)

        last = NCHUNK - 1
        wait_idx(last % NBUF)
        fire_gather(last % NBUF)
        wait_gather((last - 1) % NBUF)
        fire_scatter((last - 1) % NBUF)
        wait_gather(last % NBUF)
        fire_scatter(last % NBUF)
        for b in range(NBUF):
            wait_scatter(b)

        plsc.subcore_barrier()

        out_r0 = cid * NPAD + r0
        pltpu.sync_copy(ssum.at[pl.ds(r0, RPW)], sum_hbm.at[pl.ds(out_r0, RPW)])
        pltpu.sync_copy(scnt.at[pl.ds(r0, RPW)], cnt_hbm.at[pl.ds(out_r0, RPW)])

    return agg(x, ei_flat)


def _tc_combine(x, psum, pcnt, wl, wr, bias):
    R = 1024

    def body(x_ref, p0_ref, p1_ref, c0_ref, c1_ref, wl_ref, wr_ref, b_ref,
             o_ref):
        s = p0_ref[0] + p1_ref[0]
        cnt = c0_ref[0] + c1_ref[0]
        mean = s / jnp.maximum(cnt, 1.0)
        dn = (((1,), (1,)), ((), ()))
        acc = lax.dot_general(mean, wl_ref[...], dn,
                              preferred_element_type=jnp.float32)
        acc = acc + lax.dot_general(x_ref[...], wr_ref[...], dn,
                                    preferred_element_type=jnp.float32)
        o_ref[...] = jnp.maximum(acc + b_ref[...], 0.0)

    return pl.pallas_call(
        body,
        grid=(pl.cdiv(N_NODES, R),),
        in_specs=[
            pl.BlockSpec((R, F), lambda i: (i, 0)),
            pl.BlockSpec((1, R, F), lambda i: (0, i, 0)),
            pl.BlockSpec((1, R, F), lambda i: (1, i, 0)),
            pl.BlockSpec((1, R, 1), lambda i: (0, i, 0)),
            pl.BlockSpec((1, R, 1), lambda i: (1, i, 0)),
            pl.BlockSpec((F, F), lambda i: (0, 0)),
            pl.BlockSpec((F, F), lambda i: (0, 0)),
            pl.BlockSpec((1, F), lambda i: (0, 0)),
        ],
        out_specs=pl.BlockSpec((R, F), lambda i: (i, 0)),
        out_shape=jax.ShapeDtypeStruct((N_NODES, F), jnp.float32),
    )(x, psum, psum, pcnt, pcnt, wl, wr, bias)


def kernel(x, edge_index, W_l, b_l, W_r, b_r):
    ei_flat = edge_index.astype(jnp.int32).reshape(2 * N_EDGES)
    psum, pcnt = _sc_aggregate(x, ei_flat)
    psum3 = psum.reshape(NC, NPAD, F)
    pcnt3 = pcnt.reshape(NC, NPAD, 1)
    bias = (b_l + b_r).reshape(1, F)
    return _tc_combine(x, psum3, pcnt3, W_l, W_r, bias)

# --- scband reference (transcript-rebuilt; emitter-appended) ---
"""Pipeline reference for scband-graph-sagelayer-primitive-41807211659455 (READ-ONLY COPY).

The authoritative reference and input builder live on the scoring server;
editing this copy changes nothing except your own understanding.
"""

import jax, jax.numpy as jnp
import numpy as np

N_NODES = 10000
N_EDGES = 320000
F_IN = 128
F_OUT = 128


def setup_inputs(seed: int = 0) -> dict:
    key = jax.random.key(seed)
    k1, k2, k3, k4, k5, k6 = jax.random.split(key, 6)
    x = jax.random.normal(k1, (N_NODES, F_IN), dtype=jnp.float32)
    edge_index = jax.random.randint(k2, (2, N_EDGES), 0, N_NODES)
    W_l = jax.random.normal(k3, (F_OUT, F_IN), dtype=jnp.float32) * 0.05
    b_l = jax.random.normal(k4, (F_OUT,), dtype=jnp.float32) * 0.05
    W_r = jax.random.normal(k5, (F_OUT, F_IN), dtype=jnp.float32) * 0.05
    b_r = jax.random.normal(k6, (F_OUT,), dtype=jnp.float32) * 0.05
    return {"x": x, "edge_index": edge_index, "W_l": W_l, "b_l": b_l, "W_r": W_r, "b_r": b_r}


def reference(x, edge_index, W_l, b_l, W_r, b_r):
    num_nodes = x.shape[0]
    src = edge_index[0]
    dst = edge_index[1]
    # P2_Gather
    x_j = jnp.take(x, src, axis=0)
    # P3_ScatterAdd
    sum_agg = jax.ops.segment_sum(x_j, dst, num_segments=num_nodes)
    # P3_ScatterAdd_Count
    count = jax.ops.segment_sum(jnp.ones((dst.shape[0],), dtype=x.dtype), dst, num_segments=num_nodes)
    count = jnp.clip(count, 1.0, None)
    # P4_ElewiseDiv
    mean_agg = sum_agg / count[:, None]
    # P1_Matmul_Dual
    out = mean_agg @ W_l.T + b_l + x @ W_r.T + b_r
    # P5_ElewiseAct
    return jax.nn.relu(out)

if __name__ == "__main__":
    import jax
    _d = setup_inputs()
    print(jax.jit(kernel)(*tuple(_d.values())))

</pallas_src>

<mosaic_0001>
#map = affine_map<(d0, d1) -> (0, 0)>
#map1 = affine_map<(d0, d1) -> (0)>
module attributes {stable_mosaic.version = 14 : i64} {
  func.func @agg(%arg0: i32, %arg1: i32, %arg2: memref<10000x128xf32, #tpu.memory_space<hbm>>, %arg3: memref<640000xi32, #tpu.memory_space<hbm>>, %arg4: memref<20480x128xf32, #tpu.memory_space<hbm>>, %arg5: memref<20480xf32, #tpu.memory_space<hbm>>, %arg6: memref<80xi32, #tpu.memory_space<vmem>>, %arg7: memref<80xi32, #tpu.memory_space<vmem>>, %arg8: memref<80xi32, #tpu.memory_space<vmem>>, %arg9: memref<80xi32, #tpu.memory_space<vmem>>, %arg10: memref<80xi32, #tpu.memory_space<vmem>>, %arg11: memref<80xi32, #tpu.memory_space<vmem>>, %arg12: memref<80xi32, #tpu.memory_space<vmem>>, %arg13: memref<80xi32, #tpu.memory_space<vmem>>, %arg14: memref<80x128xf32, #tpu.memory_space<vmem>>, %arg15: memref<80x128xf32, #tpu.memory_space<vmem>>, %arg16: memref<80x128xf32, #tpu.memory_space<vmem>>, %arg17: memref<80x128xf32, #tpu.memory_space<vmem>>, %arg18: memref<80xf32, #tpu.memory_space<vmem>>, %arg19: memref<32x128xf32, #tpu.memory_space<vmem>>, %arg20: memref<640xf32, #tpu.memory_space<vmem>>, %arg21: memref<10240x128xf32, #tpu.memory_space<vmem_shared>>, %arg22: memref<10240xf32, #tpu.memory_space<vmem_shared>>, %arg23: memref<!tpu.dma_semaphore, #tpu.memory_space<semaphore_mem>>, %arg24: memref<!tpu.dma_semaphore, #tpu.memory_space<semaphore_mem>>, %arg25: memref<!tpu.dma_semaphore, #tpu.memory_space<semaphore_mem>>, %arg26: memref<!tpu.dma_semaphore, #tpu.memory_space<semaphore_mem>>, %arg27: memref<!tpu.dma_semaphore, #tpu.memory_space<semaphore_mem>>, %arg28: memref<!tpu.dma_semaphore, #tpu.memory_space<semaphore_mem>>, %arg29: memref<!tpu.dma_semaphore, #tpu.memory_space<semaphore_mem>>, %arg30: memref<!tpu.dma_semaphore, #tpu.memory_space<semaphore_mem>>, %arg31: memref<!tpu.dma_semaphore, #tpu.memory_space<semaphore_mem>>, %arg32: memref<!tpu.dma_semaphore, #tpu.memory_space<semaphore_mem>>, %arg33: memref<!tpu.dma_semaphore, #tpu.memory_space<semaphore_mem>>, %arg34: memref<!tpu.dma_semaphore, #tpu.memory_space<semaphore_mem>>) attributes {dimension_semantics = [#tpu.dimension_semantics<core_parallel>, #tpu.dimension_semantics<subcore_parallel>], iteration_bounds = array<i64: 2, 16>, scalar_prefetch = 0 : i64, scratch_operands = 29 : i64, tpu.core_type = #tpu.core_type<sc_vector_subcore>, window_params = [{transform_indices = #map}, {transform_indices = #map1}, {transform_indices = #map}, {transform_indices = #map1}]} {
    %mul3A = arith.constant 2 : i32
    %mul3A_0 = arith.muli %arg1, %mul3A : i32
    %add3A = arith.addi %mul3A_0, %arg0 : i32
    %broadcast_in_dim3A = arith.constant 0.000000e+00 : f32
    %broadcast_in_dim3A_1 = vector.broadcast %broadcast_in_dim3A : f32 to vector<16xf32>
    %broadcast_in_dim3A_2 = arith.constant 1.000000e+00 : f32
    %broadcast_in_dim3A_3 = vector.broadcast %broadcast_in_dim3A_2 : f32 to vector<16xf32>
    %scan3A = arith.constant 0 : i32
    %scan3A_4 = arith.constant 0 : i32
    %scan3A_5 = arith.constant 32 : i32
    %scan3A_6 = arith.addi %scan3A_4, %scan3A_5 : i32
    %scan3A_7 = arith.constant 1 : i32
    scf.for %scan3A_233 = %scan3A_4 to %scan3A_6 step %scan3A_7  : i32 {
      %swap3A = arith.index_cast %scan3A_233 : i32 to index
      %swap3A_234 = arith.constant 0 : index
      %swap3A_235 = tpu.vector_load %arg19[%swap3A, %swap3A_234] {strides = array<i32>} : memref<32x128xf32, #tpu.memory_space<vmem>>, vector<1x16xf32>,
      %swap3A_236 = vector.shape_cast %swap3A_235 : vector<1x16xf32> to vector<16xf32>
      %swap3A_237 = vector.shape_cast %broadcast_in_dim3A_1 : vector<16xf32> to vector<1x16xf32>
      tpu.vector_store %arg19[%swap3A, %swap3A_234], %swap3A_237 {strides = array<i32>} : memref<32x128xf32, #tpu.memory_space<vmem>>, vector<1x16xf32>,
      %swap3A_238 = arith.index_cast %scan3A_233 : i32 to index
      %swap3A_239 = arith.constant 16 : index
      %swap3A_240 = tpu.vector_load %arg19[%swap3A_238, %swap3A_239] {strides = array<i32>} : memref<32x128xf32, #tpu.memory_space<vmem>>, vector<1x16xf32>,
      %swap3A_241 = vector.shape_cast %swap3A_240 : vector<1x16xf32> to vector<16xf32>
      %swap3A_242 = vector.shape_cast %broadcast_in_dim3A_1 : vector<16xf32> to vector<1x16xf32>
      tpu.vector_store %arg19[%swap3A_238, %swap3A_239], %swap3A_242 {strides = array<i32>} : memref<32x128xf32, #tpu.memory_space<vmem>>, vector<1x16xf32>,
      %swap3A_243 = arith.index_cast %scan3A_233 : i32 to index
      %swap3A_244 = arith.constant 32 : index
      %swap3A_245 = tpu.vector_load %arg19[%swap3A_243, %swap3A_244] {strides = array<i32>} : memref<32x128xf32, #tpu.memory_space<vmem>>, vector<1x16xf32>,
      %swap3A_246 = vector.shape_cast %swap3A_245 : vector<1x16xf32> to vector<16xf32>
      %swap3A_247 = vector.shape_cast %broadcast_in_dim3A_1 : vector<16xf32> to vector<1x16xf32>
      tpu.vector_store %arg19[%swap3A_243, %swap3A_244], %swap3A_247 {strides = array<i32>} : memref<32x128xf32, #tpu.memory_space<vmem>>, vector<1x16xf32>,
      %swap3A_248 = arith.index_cast %scan3A_233 : i32 to index
      %swap3A_249 = arith.constant 48 : index
      %swap3A_250 = tpu.vector_load %arg19[%swap3A_248, %swap3A_249] {strides = array<i32>} : memref<32x128xf32, #tpu.memory_space<vmem>>, vector<1x16xf32>,
      %swap3A_251 = vector.shape_cast %swap3A_250 : vector<1x16xf32> to vector<16xf32>
      %swap3A_252 = vector.shape_cast %broadcast_in_dim3A_1 : vector<16xf32> to vector<1x16xf32>
      tpu.vector_store %arg19[%swap3A_248, %swap3A_249], %swap3A_252 {strides = array<i32>} : memref<32x128xf32, #tpu.memory_space<vmem>>, vector<1x16xf32>,
      %swap3A_253 = arith.index_cast %scan3A_233 : i32 to index
      %swap3A_254 = arith.constant 64 : index
      %swap3A_255 = tpu.vector_load %arg19[%swap3A_253, %swap3A_254] {strides = array<i32>} : memref<32x128xf32, #tpu.memory_space<vmem>>, vector<1x16xf32>,
      %swap3A_256 = vector.shape_cast %swap3A_255 : vector<1x16xf32> to vector<16xf32>
      %swap3A_257 = vector.shape_cast %broadcast_in_dim3A_1 : vector<16xf32> to vector<1x16xf32>
      tpu.vector_store %arg19[%swap3A_253, %swap3A_254], %swap3A_257 {strides = array<i32>} : memref<32x128xf32, #tpu.memory_space<vmem>>, vector<1x16xf32>,
      %swap3A_258 = arith.index_cast %scan3A_233 : i32 to index
      %swap3A_259 = arith.constant 80 : index
      %swap3A_260 = tpu.vector_load %arg19[%swap3A_258, %swap3A_259] {strides = array<i32>} : memref<32x128xf32, #tpu.memory_space<vmem>>, vector<1x16xf32>,
      %swap3A_261 = vector.shape_cast %swap3A_260 : vector<1x16xf32> to vector<16xf32>
      %swap3A_262 = vector.shape_cast %broadcast_in_dim3A_1 : vector<16xf32> to vector<1x16xf32>
      tpu.vector_store %arg19[%swap3A_258, %swap3A_259], %swap3A_262 {strides = array<i32>} : memref<32x128xf32, #tpu.memory_space<vmem>>, vector<1x16xf32>,
      %swap3A_263 = arith.index_cast %scan3A_233 : i32 to index
      %swap3A_264 = arith.constant 96 : index
      %swap3A_265 = tpu.vector_load %arg19[%swap3A_263, %swap3A_264] {strides = array<i32>} : memref<32x128xf32, #tpu.memory_space<vmem>>, vector<1x16xf32>,
      %swap3A_266 = vector.shape_cast %swap3A_265 : vector<1x16xf32> to vector<16xf32>
      %swap3A_267 = vector.shape_cast %broadcast_in_dim3A_1 : vector<16xf32> to vector<1x16xf32>
      tpu.vector_store %arg19[%swap3A_263, %swap3A_264], %swap3A_267 {strides = array<i32>} : memref<32x128xf32, #tpu.memory_space<vmem>>, vector<1x16xf32>,
      %swap3A_268 = arith.index_cast %scan3A_233 : i32 to index
      %swap3A_269 = arith.constant 112 : index
      %swap3A_270 = tpu.vector_load %arg19[%swap3A_268, %swap3A_269] {strides = array<i32>} : memref<32x128xf32, #tpu.memory_space<vmem>>, vector<1x16xf32>,
      %swap3A_271 = vector.shape_cast %swap3A_270 : vector<1x16xf32> to vector<16xf32>
      %swap3A_272 = vector.shape_cast %broadcast_in_dim3A_1 : vector<16xf32> to vector<1x16xf32>
      tpu.vector_store %arg19[%swap3A_268, %swap3A_269], %swap3A_272 {strides = array<i32>} : memref<32x128xf32, #tpu.memory_space<vmem>>, vector<1x16xf32>,
    }
    %scan3A_8 = arith.constant 32 : i32
    %scan3A_9 = arith.constant 0 : i32
    %scan3A_10 = arith.constant 0 : i32
    %scan3A_11 = arith.constant 5 : i32
    %scan3A_12 = arith.addi %scan3A_10, %scan3A_11 : i32
    %scan3A_13 = arith.constant 1 : i32
    scf.for %scan3A_233 = %scan3A_10 to %scan3A_12 step %scan3A_13  : i32 {
      %mul3A_234 = arith.constant 16 : i32
      %mul3A_235 = arith.muli %scan3A_233, %mul3A_234 : i32
      %swap3A = arith.index_cast %mul3A_235 : i32 to index
      %swap3A_236 = tpu.vector_load %arg18[%swap3A] {strides = array<i32>} : memref<80xf32, #tpu.memory_space<vmem>>, vector<16xf32>,
      %swap3A_237 = vector.shape_cast %swap3A_236 : vector<16xf32> to vector<16xf32>
      %swap3A_238 = vector.shape_cast %broadcast_in_dim3A_3 : vector<16xf32> to vector<16xf32>
      tpu.vector_store %arg18[%swap3A], %swap3A_238 {strides = array<i32>} : memref<80xf32, #tpu.memory_space<vmem>>, vector<16xf32>,
    }
    %scan3A_14 = arith.constant 5 : i32
    %scan3A_15 = arith.constant 0 : i32
    %scan3A_16 = arith.constant 0 : i32
    %scan3A_17 = arith.constant 40 : i32
    %scan3A_18 = arith.addi %scan3A_16, %scan3A_17 : i32
    %scan3A_19 = arith.constant 1 : i32
    scf.for %scan3A_233 = %scan3A_16 to %scan3A_18 step %scan3A_19  : i32 {
      %mul3A_234 = arith.constant 16 : i32
      %mul3A_235 = arith.muli %scan3A_233, %mul3A_234 : i32
      %swap3A = arith.index_cast %mul3A_235 : i32 to index
      %swap3A_236 = tpu.vector_load %arg20[%swap3A] {strides = array<i32>} : memref<640xf32, #tpu.memory_space<vmem>>, vector<16xf32>,
      %swap3A_237 = vector.shape_cast %swap3A_236 : vector<16xf32> to vector<16xf32>
      %swap3A_238 = vector.shape_cast %broadcast_in_dim3A_1 : vector<16xf32> to vector<16xf32>
      tpu.vector_store %arg20[%swap3A], %swap3A_238 {strides = array<i32>} : memref<640xf32, #tpu.memory_space<vmem>>, vector<16xf32>,
    }
    %scan3A_20 = arith.constant 40 : i32
    %mul3A_21 = arith.constant 640 : i32
    %mul3A_22 = arith.muli %arg1, %mul3A_21 : i32
    %add3A_23 = arith.constant 0 : i32
    %add3A_24 = arith.addi %mul3A_22, %add3A_23 : i32
    "tpu.region"() ({
      %run_scoped3A = tpu.sem_alloc : memref<!tpu.dma_semaphore, #tpu.memory_space<semaphore_mem>>
      %dma_start3A_233 = arith.constant 0 : i32
      %dma_start3A_234 = tpu.memref_slice %arg21[%add3A_24, %dma_start3A_233] : memref<10240x128xf32, #tpu.memory_space<vmem_shared>> -> memref<32x128xf32, #tpu.memory_space<vmem_shared>>
      %dma_start3A_235 = arith.constant 0 : i32
      %dma_start3A_236 = tpu.memref_slice %arg21[%add3A_24, %dma_start3A_235] : memref<10240x128xf32, #tpu.memory_space<vmem_shared>> -> memref<32x128xf32, #tpu.memory_space<vmem_shared>>
      tpu.enqueue_dma source(%arg19 : memref<32x128xf32, #tpu.memory_space<vmem>>) target(%dma_start3A_236 : memref<32x128xf32, #tpu.memory_space<vmem_shared>>) target_semaphore(%run_scoped3A : memref<!tpu.dma_semaphore, #tpu.memory_space<semaphore_mem>>)
      %dma_wait3A_237 = arith.constant 0 : i32
      %dma_wait3A_238 = tpu.memref_slice %arg21[%add3A_24, %dma_wait3A_237] : memref<10240x128xf32, #tpu.memory_space<vmem_shared>> -> memref<32x128xf32, #tpu.memory_space<vmem_shared>>
      %dma_wait3A_239 = arith.constant 0 : i32
      %dma_wait3A_240 = tpu.memref_slice %arg21[%add3A_24, %dma_wait3A_239] : memref<10240x128xf32, #tpu.memory_space<vmem_shared>> -> memref<32x128xf32, #tpu.memory_space<vmem_shared>>
      tpu.wait_dma2 semaphore(%run_scoped3A : memref<!tpu.dma_semaphore, #tpu.memory_space<semaphore_mem>>) src(%arg19 : memref<32x128xf32, #tpu.memory_space<vmem>>) dst(%dma_wait3A_240 : memref<32x128xf32, #tpu.memory_space<vmem_shared>>)
      tpu.yield
    }) : () -> ()
    %add3A_25 = arith.constant 32 : i32
    %add3A_26 = arith.addi %mul3A_22, %add3A_25 : i32
    "tpu.region"() ({
      %run_scoped3A = tpu.sem_alloc : memref<!tpu.dma_semaphore, #tpu.memory_space<semaphore_mem>>
      %dma_start3A_233 = arith.constant 0 : i32
      %dma_start3A_234 = tpu.memref_slice %arg21[%add3A_26, %dma_start3A_233] : memref<10240x128xf32, #tpu.memory_space<vmem_shared>> -> memref<32x128xf32, #tpu.memory_space<vmem_shared>>
      %dma_start3A_235 = arith.constant 0 : i32
      %dma_start3A_236 = tpu.memref_slice %arg21[%add3A_26, %dma_start3A_235] : memref<10240x128xf32, #tpu.memory_space<vmem_shared>> -> memref<32x128xf32, #tpu.memory_space<vmem_shared>>
      tpu.enqueue_dma source(%arg19 : memref<32x128xf32, #tpu.memory_space<vmem>>) target(%dma_start3A_236 : memref<32x128xf32, #tpu.memory_space<vmem_shared>>) target_semaphore(%run_scoped3A : memref<!tpu.dma_semaphore, #tpu.memory_space<semaphore_mem>>)
      %dma_wait3A_237 = arith.constant 0 : i32
      %dma_wait3A_238 = tpu.memref_slice %arg21[%add3A_26, %dma_wait3A_237] : memref<10240x128xf32, #tpu.memory_space<vmem_shared>> -> memref<32x128xf32, #tpu.memory_space<vmem_shared>>
      %dma_wait3A_239 = arith.constant 0 : i32
      %dma_wait3A_240 = tpu.memref_slice %arg21[%add3A_26, %dma_wait3A_239] : memref<10240x128xf32, #tpu.memory_space<vmem_shared>> -> memref<32x128xf32, #tpu.memory_space<vmem_shared>>
      tpu.wait_dma2 semaphore(%run_scoped3A : memref<!tpu.dma_semaphore, #tpu.memory_space<semaphore_mem>>) src(%arg19 : memref<32x128xf32, #tpu.memory_space<vmem>>) dst(%dma_wait3A_240 : memref<32x128xf32, #tpu.memory_space<vmem_shared>>)
      tpu.yield
    }) : () -> ()
    %add3A_27 = arith.constant 64 : i32
    %add3A_28 = arith.addi %mul3A_22, %add3A_27 : i32
    "tpu.region"() ({
      %run_scoped3A = tpu.sem_alloc : memref<!tpu.dma_semaphore, #tpu.memory_space<semaphore_mem>>
      %dma_start3A_233 = arith.constant 0 : i32
      %dma_start3A_234 = tpu.memref_slice %arg21[%add3A_28, %dma_start3A_233] : memref<10240x128xf32, #tpu.memory_space<vmem_shared>> -> memref<32x128xf32, #tpu.memory_space<vmem_shared>>
      %dma_start3A_235 = arith.constant 0 : i32
      %dma_start3A_236 = tpu.memref_slice %arg21[%add3A_28, %dma_start3A_235] : memref<10240x128xf32, #tpu.memory_space<vmem_shared>> -> memref<32x128xf32, #tpu.memory_space<vmem_shared>>
      tpu.enqueue_dma source(%arg19 : memref<32x128xf32, #tpu.memory_space<vmem>>) target(%dma_start3A_236 : memref<32x128xf32, #tpu.memory_space<vmem_shared>>) target_semaphore(%run_scoped3A : memref<!tpu.dma_semaphore, #tpu.memory_space<semaphore_mem>>)
      %dma_wait3A_237 = arith.constant 0 : i32
      %dma_wait3A_238 = tpu.memref_slice %arg21[%add3A_28, %dma_wait3A_237] : memref<10240x128xf32, #tpu.memory_space<vmem_shared>> -> memref<32x128xf32, #tpu.memory_space<vmem_shared>>
      %dma_wait3A_239 = arith.constant 0 : i32
      %dma_wait3A_240 = tpu.memref_slice %arg21[%add3A_28, %dma_wait3A_239] : memref<10240x128xf32, #tpu.memory_space<vmem_shared>> -> memref<32x128xf32, #tpu.memory_space<vmem_shared>>
      tpu.wait_dma2 semaphore(%run_scoped3A : memref<!tpu.dma_semaphore, #tpu.memory_space<semaphore_mem>>) src(%arg19 : memref<32x128xf32, #tpu.memory_space<vmem>>) dst(%dma_wait3A_240 : memref<32x128xf32, #tpu.memory_space<vmem_shared>>)
      tpu.yield
    }) : () -> ()
    %add3A_29 = arith.constant 96 : i32
    %add3A_30 = arith.addi %mul3A_22, %add3A_29 : i32
    "tpu.region"() ({
      %run_scoped3A = tpu.sem_alloc : memref<!tpu.dma_semaphore, #tpu.memory_space<semaphore_mem>>
      %dma_start3A_233 = arith.constant 0 : i32
      %dma_start3A_234 = tpu.memref_slice %arg21[%add3A_30, %dma_start3A_233] : memref<10240x128xf32, #tpu.memory_space<vmem_shared>> -> memref<32x128xf32, #tpu.memory_space<vmem_shared>>
      %dma_start3A_235 = arith.constant 0 : i32
      %dma_start3A_236 = tpu.memref_slice %arg21[%add3A_30, %dma_start3A_235] : memref<10240x128xf32, #tpu.memory_space<vmem_shared>> -> memref<32x128xf32, #tpu.memory_space<vmem_shared>>
      tpu.enqueue_dma source(%arg19 : memref<32x128xf32, #tpu.memory_space<vmem>>) target(%dma_start3A_236 : memref<32x128xf32, #tpu.memory_space<vmem_shared>>) target_semaphore(%run_scoped3A : memref<!tpu.dma_semaphore, #tpu.memory_space<semaphore_mem>>)
      %dma_wait3A_237 = arith.constant 0 : i32
      %dma_wait3A_238 = tpu.memref_slice %arg21[%add3A_30, %dma_wait3A_237] : memref<10240x128xf32, #tpu.memory_space<vmem_shared>> -> memref<32x128xf32, #tpu.memory_space<vmem_shared>>
      %dma_wait3A_239 = arith.constant 0 : i32
      %dma_wait3A_240 = tpu.memref_slice %arg21[%add3A_30, %dma_wait3A_239] : memref<10240x128xf32, #tpu.memory_space<vmem_shared>> -> memref<32x128xf32, #tpu.memory_space<vmem_shared>>
      tpu.wait_dma2 semaphore(%run_scoped3A : memref<!tpu.dma_semaphore, #tpu.memory_space<semaphore_mem>>) src(%arg19 : memref<32x128xf32, #tpu.memory_space<vmem>>) dst(%dma_wait3A_240 : memref<32x128xf32, #tpu.memory_space<vmem_shared>>)
      tpu.yield
    }) : () -> ()
    %add3A_31 = arith.constant 128 : i32
    %add3A_32 = arith.addi %mul3A_22, %add3A_31 : i32
    "tpu.region"() ({
      %run_scoped3A = tpu.sem_alloc : memref<!tpu.dma_semaphore, #tpu.memory_space<semaphore_mem>>
      %dma_start3A_233 = arith.constant 0 : i32
      %dma_start3A_234 = tpu.memref_slice %arg21[%add3A_32, %dma_start3A_233] : memref<10240x128xf32, #tpu.memory_space<vmem_shared>> -> memref<32x128xf32, #tpu.memory_space<vmem_shared>>
      %dma_start3A_235 = arith.constant 0 : i32
      %dma_start3A_236 = tpu.memref_slice %arg21[%add3A_32, %dma_start3A_235] : memref<10240x128xf32, #tpu.memory_space<vmem_shared>> -> memref<32x128xf32, #tpu.memory_space<vmem_shared>>
      tpu.enqueue_dma source(%arg19 : memref<32x128xf32, #tpu.memory_space<vmem>>) target(%dma_start3A_236 : memref<32x128xf32, #tpu.memory_space<vmem_shared>>) target_semaphore(%run_scoped3A : memref<!tpu.dma_semaphore, #tpu.memory_space<semaphore_mem>>)
      %dma_wait3A_237 = arith.constant 0 : i32
      %dma_wait3A_238 = tpu.memref_slice %arg21[%add3A_32, %dma_wait3A_237] : memref<10240x128xf32, #tpu.memory_space<vmem_shared>> -> memref<32x128xf32, #tpu.memory_space<vmem_shared>>
      %dma_wait3A_239 = arith.constant 0 : i32
      %dma_wait3A_240 = tpu.memref_slice %arg21[%add3A_32, %dma_wait3A_239] : memref<10240x128xf32, #tpu.memory_space<vmem_shared>> -> memref<32x128xf32, #tpu.memory_space<vmem_shared>>
      tpu.wait_dma2 semaphore(%run_scoped3A : memref<!tpu.dma_semaphore, #tpu.memory_space<semaphore_mem>>) src(%arg19 : memref<32x128xf32, #tpu.memory_space<vmem>>) dst(%dma_wait3A_240 : memref<32x128xf32, #tpu.memory_space<vmem_shared>>)
      tpu.yield
    }) : () -> ()
    %add3A_33 = arith.constant 160 : i32
    %add3A_34 = arith.addi %mul3A_22, %add3A_33 : i32
    "tpu.region"() ({
      %run_scoped3A = tpu.sem_alloc : memref<!tpu.dma_semaphore, #tpu.memory_space<semaphore_mem>>
      %dma_start3A_233 = arith.constant 0 : i32
      %dma_start3A_234 = tpu.memref_slice %arg21[%add3A_34, %dma_start3A_233] : memref<10240x128xf32, #tpu.memory_space<vmem_shared>> -> memref<32x128xf32, #tpu.memory_space<vmem_shared>>
      %dma_start3A_235 = arith.constant 0 : i32
      %dma_start3A_236 = tpu.memref_slice %arg21[%add3A_34, %dma_start3A_235] : memref<10240x128xf32, #tpu.memory_space<vmem_shared>> -> memref<32x128xf32, #tpu.memory_space<vmem_shared>>
      tpu.enqueue_dma source(%arg19 : memref<32x128xf32, #tpu.memory_space<vmem>>) target(%dma_start3A_236 : memref<32x128xf32, #tpu.memory_space<vmem_shared>>) target_semaphore(%run_scoped3A : memref<!tpu.dma_semaphore, #tpu.memory_space<semaphore_mem>>)
      %dma_wait3A_237 = arith.constant 0 : i32
      %dma_wait3A_238 = tpu.memref_slice %arg21[%add3A_34, %dma_wait3A_237] : memref<10240x128xf32, #tpu.memory_space<vmem_shared>> -> memref<32x128xf32, #tpu.memory_space<vmem_shared>>
      %dma_wait3A_239 = arith.constant 0 : i32
      %dma_wait3A_240 = tpu.memref_slice %arg21[%add3A_34, %dma_wait3A_239] : memref<10240x128xf32, #tpu.memory_space<vmem_shared>> -> memref<32x128xf32, #tpu.memory_space<vmem_shared>>
      tpu.wait_dma2 semaphore(%run_scoped3A : memref<!tpu.dma_semaphore, #tpu.memory_space<semaphore_mem>>) src(%arg19 : memref<32x128xf32, #tpu.memory_space<vmem>>) dst(%dma_wait3A_240 : memref<32x128xf32, #tpu.memory_space<vmem_shared>>)
      tpu.yield
    }) : () -> ()
    %add3A_35 = arith.constant 192 : i32
    %add3A_36 = arith.addi %mul3A_22, %add3A_35 : i32
    "tpu.region"() ({
      %run_scoped3A = tpu.sem_alloc : memref<!tpu.dma_semaphore, #tpu.memory_space<semaphore_mem>>
      %dma_start3A_233 = arith.constant 0 : i32
      %dma_start3A_234 = tpu.memref_slice %arg21[%add3A_36, %dma_start3A_233] : memref<10240x128xf32, #tpu.memory_space<vmem_shared>> -> memref<32x128xf32, #tpu.memory_space<vmem_shared>>
      %dma_start3A_235 = arith.constant 0 : i32
      %dma_start3A_236 = tpu.memref_slice %arg21[%add3A_36, %dma_start3A_235] : memref<10240x128xf32, #tpu.memory_space<vmem_shared>> -> memref<32x128xf32, #tpu.memory_space<vmem_shared>>
      tpu.enqueue_dma source(%arg19 : memref<32x128xf32, #tpu.memory_space<vmem>>) target(%dma_start3A_236 : memref<32x128xf32, #tpu.memory_space<vmem_shared>>) target_semaphore(%run_scoped3A : memref<!tpu.dma_semaphore, #tpu.memory_space<semaphore_mem>>)
      %dma_wait3A_237 = arith.constant 0 : i32
      %dma_wait3A_238 = tpu.memref_slice %arg21[%add3A_36, %dma_wait3A_237] : memref<10240x128xf32, #tpu.memory_space<vmem_shared>> -> memref<32x128xf32, #tpu.memory_space<vmem_shared>>
      %dma_wait3A_239 = arith.constant 0 : i32
      %dma_wait3A_240 = tpu.memref_slice %arg21[%add3A_36, %dma_wait3A_239] : memref<10240x128xf32, #tpu.memory_space<vmem_shared>> -> memref<32x128xf32, #tpu.memory_space<vmem_shared>>
      tpu.wait_dma2 semaphore(%run_scoped3A : memref<!tpu.dma_semaphore, #tpu.memory_space<semaphore_mem>>) src(%arg19 : memref<32x128xf32, #tpu.memory_space<vmem>>) dst(%dma_wait3A_240 : memref<32x128xf32, #tpu.memory_space<vmem_shared>>)
      tpu.yield
    }) : () -> ()
    %add3A_37 = arith.constant 224 : i32
    %add3A_38 = arith.addi %mul3A_22, %add3A_37 : i32
    "tpu.region"() ({
      %run_scoped3A = tpu.sem_alloc : memref<!tpu.dma_semaphore, #tpu.memory_space<semaphore_mem>>
      %dma_start3A_233 = arith.constant 0 : i32
      %dma_start3A_234 = tpu.memref_slice %arg21[%add3A_38, %dma_start3A_233] : memref<10240x128xf32, #tpu.memory_space<vmem_shared>> -> memref<32x128xf32, #tpu.memory_space<vmem_shared>>
      %dma_start3A_235 = arith.constant 0 : i32
      %dma_start3A_236 = tpu.memref_slice %arg21[%add3A_38, %dma_start3A_235] : memref<10240x128xf32, #tpu.memory_space<vmem_shared>> -> memref<32x128xf32, #tpu.memory_space<vmem_shared>>
      tpu.enqueue_dma source(%arg19 : memref<32x128xf32, #tpu.memory_space<vmem>>) target(%dma_start3A_236 : memref<32x128xf32, #tpu.memory_space<vmem_shared>>) target_semaphore(%run_scoped3A : memref<!tpu.dma_semaphore, #tpu.memory_space<semaphore_mem>>)
      %dma_wait3A_237 = arith.constant 0 : i32
      %dma_wait3A_238 = tpu.memref_slice %arg21[%add3A_38, %dma_wait3A_237] : memref<10240x128xf32, #tpu.memory_space<vmem_shared>> -> memref<32x128xf32, #tpu.memory_space<vmem_shared>>
      %dma_wait3A_239 = arith.constant 0 : i32
      %dma_wait3A_240 = tpu.memref_slice %arg21[%add3A_38, %dma_wait3A_239] : memref<10240x128xf32, #tpu.memory_space<vmem_shared>> -> memref<32x128xf32, #tpu.memory_space<vmem_shared>>
      tpu.wait_dma2 semaphore(%run_scoped3A : memref<!tpu.dma_semaphore, #tpu.memory_space<semaphore_mem>>) src(%arg19 : memref<32x128xf32, #tpu.memory_space<vmem>>) dst(%dma_wait3A_240 : memref<32x128xf32, #tpu.memory_space<vmem_shared>>)
      tpu.yield
    }) : () -> ()
    %add3A_39 = arith.constant 256 : i32
    %add3A_40 = arith.addi %mul3A_22, %add3A_39 : i32
    "tpu.region"() ({
      %run_scoped3A = tpu.sem_alloc : memref<!tpu.dma_semaphore, #tpu.memory_space<semaphore_mem>>
      %dma_start3A_233 = arith.constant 0 : i32
      %dma_start3A_234 = tpu.memref_slice %arg21[%add3A_40, %dma_start3A_233] : memref<10240x128xf32, #tpu.memory_space<vmem_shared>> -> memref<32x128xf32, #tpu.memory_space<vmem_shared>>
      %dma_start3A_235 = arith.constant 0 : i32
      %dma_start3A_236 = tpu.memref_slice %arg21[%add3A_40, %dma_start3A_235] : memref<10240x128xf32, #tpu.memory_space<vmem_shared>> -> memref<32x128xf32, #tpu.memory_space<vmem_shared>>
      tpu.enqueue_dma source(%arg19 : memref<32x128xf32, #tpu.memory_space<vmem>>) target(%dma_start3A_236 : memref<32x128xf32, #tpu.memory_space<vmem_shared>>) target_semaphore(%run_scoped3A : memref<!tpu.dma_semaphore, #tpu.memory_space<semaphore_mem>>)
      %dma_wait3A_237 = arith.constant 0 : i32
      %dma_wait3A_238 = tpu.memref_slice %arg21[%add3A_40, %dma_wait3A_237] : memref<10240x128xf32, #tpu.memory_space<vmem_shared>> -> memref<32x128xf32, #tpu.memory_space<vmem_shared>>
      %dma_wait3A_239 = arith.constant 0 : i32
      %dma_wait3A_240 = tpu.memref_slice %arg21[%add3A_40, %dma_wait3A_239] : memref<10240x128xf32, #tpu.memory_space<vmem_shared>> -> memref<32x128xf32, #tpu.memory_space<vmem_shared>>
      tpu.wait_dma2 semaphore(%run_scoped3A : memref<!tpu.dma_semaphore, #tpu.memory_space<semaphore_mem>>) src(%arg19 : memref<32x128xf32, #tpu.memory_space<vmem>>) dst(%dma_wait3A_240 : memref<32x128xf32, #tpu.memory_space<vmem_shared>>)
      tpu.yield
    }) : () -> ()
    %add3A_41 = arith.constant 288 : i32
    %add3A_42 = arith.addi %mul3A_22, %add3A_41 : i32
    "tpu.region"() ({
      %run_scoped3A = tpu.sem_alloc : memref<!tpu.dma_semaphore, #tpu.memory_space<semaphore_mem>>
      %dma_start3A_233 = arith.constant 0 : i32
      %dma_start3A_234 = tpu.memref_slice %arg21[%add3A_42, %dma_start3A_233] : memref<10240x128xf32, #tpu.memory_space<vmem_shared>> -> memref<32x128xf32, #tpu.memory_space<vmem_shared>>
      %dma_start3A_235 = arith.constant 0 : i32
      %dma_start3A_236 = tpu.memref_slice %arg21[%add3A_42, %dma_start3A_235] : memref<10240x128xf32, #tpu.memory_space<vmem_shared>> -> memref<32x128xf32, #tpu.memory_space<vmem_shared>>
      tpu.enqueue_dma source(%arg19 : memref<32x128xf32, #tpu.memory_space<vmem>>) target(%dma_start3A_236 : memref<32x128xf32, #tpu.memory_space<vmem_shared>>) target_semaphore(%run_scoped3A : memref<!tpu.dma_semaphore, #tpu.memory_space<semaphore_mem>>)
      %dma_wait3A_237 = arith.constant 0 : i32
      %dma_wait3A_238 = tpu.memref_slice %arg21[%add3A_42, %dma_wait3A_237] : memref<10240x128xf32, #tpu.memory_space<vmem_shared>> -> memref<32x128xf32, #tpu.memory_space<vmem_shared>>
      %dma_wait3A_239 = arith.constant 0 : i32
      %dma_wait3A_240 = tpu.memref_slice %arg21[%add3A_42, %dma_wait3A_239] : memref<10240x128xf32, #tpu.memory_space<vmem_shared>> -> memref<32x128xf32, #tpu.memory_space<vmem_shared>>
      tpu.wait_dma2 semaphore(%run_scoped3A : memref<!tpu.dma_semaphore, #tpu.memory_space<semaphore_mem>>) src(%arg19 : memref<32x128xf32, #tpu.memory_space<vmem>>) dst(%dma_wait3A_240 : memref<32x128xf32, #tpu.memory_space<vmem_shared>>)
      tpu.yield
    }) : () -> ()
    %add3A_43 = arith.constant 320 : i32
    %add3A_44 = arith.addi %mul3A_22, %add3A_43 : i32
    "tpu.region"() ({
      %run_scoped3A = tpu.sem_alloc : memref<!tpu.dma_semaphore, #tpu.memory_space<semaphore_mem>>
      %dma_start3A_233 = arith.constant 0 : i32
      %dma_start3A_234 = tpu.memref_slice %arg21[%add3A_44, %dma_start3A_233] : memref<10240x128xf32, #tpu.memory_space<vmem_shared>> -> memref<32x128xf32, #tpu.memory_space<vmem_shared>>
      %dma_start3A_235 = arith.constant 0 : i32
      %dma_start3A_236 = tpu.memref_slice %arg21[%add3A_44, %dma_start3A_235] : memref<10240x128xf32, #tpu.memory_space<vmem_shared>> -> memref<32x128xf32, #tpu.memory_space<vmem_shared>>
      tpu.enqueue_dma source(%arg19 : memref<32x128xf32, #tpu.memory_space<vmem>>) target(%dma_start3A_236 : memref<32x128xf32, #tpu.memory_space<vmem_shared>>) target_semaphore(%run_scoped3A : memref<!tpu.dma_semaphore, #tpu.memory_space<semaphore_mem>>)
      %dma_wait3A_237 = arith.constant 0 : i32
      %dma_wait3A_238 = tpu.memref_slice %arg21[%add3A_44, %dma_wait3A_237] : memref<10240x128xf32, #tpu.memory_space<vmem_shared>> -> memref<32x128xf32, #tpu.memory_space<vmem_shared>>
      %dma_wait3A_239 = arith.constant 0 : i32
      %dma_wait3A_240 = tpu.memref_slice %arg21[%add3A_44, %dma_wait3A_239] : memref<10240x128xf32, #tpu.memory_space<vmem_shared>> -> memref<32x128xf32, #tpu.memory_space<vmem_shared>>
      tpu.wait_dma2 semaphore(%run_scoped3A : memref<!tpu.dma_semaphore, #tpu.memory_space<semaphore_mem>>) src(%arg19 : memref<32x128xf32, #tpu.memory_space<vmem>>) dst(%dma_wait3A_240 : memref<32x128xf32, #tpu.memory_space<vmem_shared>>)
      tpu.yield
    }) : () -> ()
    %add3A_45 = arith.constant 352 : i32
    %add3A_46 = arith.addi %mul3A_22, %add3A_45 : i32
    "tpu.region"() ({
      %run_scoped3A = tpu.sem_alloc : memref<!tpu.dma_semaphore, #tpu.memory_space<semaphore_mem>>
      %dma_start3A_233 = arith.constant 0 : i32
      %dma_start3A_234 = tpu.memref_slice %arg21[%add3A_46, %dma_start3A_233] : memref<10240x128xf32, #tpu.memory_space<vmem_shared>> -> memref<32x128xf32, #tpu.memory_space<vmem_shared>>
      %dma_start3A_235 = arith.constant 0 : i32
      %dma_start3A_236 = tpu.memref_slice %arg21[%add3A_46, %dma_start3A_235] : memref<10240x128xf32, #tpu.memory_space<vmem_shared>> -> memref<32x128xf32, #tpu.memory_space<vmem_shared>>
      tpu.enqueue_dma source(%arg19 : memref<32x128xf32, #tpu.memory_space<vmem>>) target(%dma_start3A_236 : memref<32x128xf32, #tpu.memory_space<vmem_shared>>) target_semaphore(%run_scoped3A : memref<!tpu.dma_semaphore, #tpu.memory_space<semaphore_mem>>)
      %dma_wait3A_237 = arith.constant 0 : i32
      %dma_wait3A_238 = tpu.memref_slice %arg21[%add3A_46, %dma_wait3A_237] : memref<10240x128xf32, #tpu.memory_space<vmem_shared>> -> memref<32x128xf32, #tpu.memory_space<vmem_shared>>
      %dma_wait3A_239 = arith.constant 0 : i32
      %dma_wait3A_240 = tpu.memref_slice %arg21[%add3A_46, %dma_wait3A_239] : memref<10240x128xf32, #tpu.memory_space<vmem_shared>> -> memref<32x128xf32, #tpu.memory_space<vmem_shared>>
      tpu.wait_dma2 semaphore(%run_scoped3A : memref<!tpu.dma_semaphore, #tpu.memory_space<semaphore_mem>>) src(%arg19 : memref<32x128xf32, #tpu.memory_space<vmem>>) dst(%dma_wait3A_240 : memref<32x128xf32, #tpu.memory_space<vmem_shared>>)
      tpu.yield
    }) : () -> ()
    %add3A_47 = arith.constant 384 : i32
    %add3A_48 = arith.addi %mul3A_22, %add3A_47 : i32
    "tpu.region"() ({
      %run_scoped3A = tpu.sem_alloc : memref<!tpu.dma_semaphore, #tpu.memory_space<semaphore_mem>>
      %dma_start3A_233 = arith.constant 0 : i32
      %dma_start3A_234 = tpu.memref_slice %arg21[%add3A_48, %dma_start3A_233] : memref<10240x128xf32, #tpu.memory_space<vmem_shared>> -> memref<32x128xf32, #tpu.memory_space<vmem_shared>>
      %dma_start3A_235 = arith.constant 0 : i32
      %dma_start3A_236 = tpu.memref_slice %arg21[%add3A_48, %dma_start3A_235] : memref<10240x128xf32, #tpu.memory_space<vmem_shared>> -> memref<32x128xf32, #tpu.memory_space<vmem_shared>>
      tpu.enqueue_dma source(%arg19 : memref<32x128xf32, #tpu.memory_space<vmem>>) target(%dma_start3A_236 : memref<32x128xf32, #tpu.memory_space<vmem_shared>>) target_semaphore(%run_scoped3A : memref<!tpu.dma_semaphore, #tpu.memory_space<semaphore_mem>>)
      %dma_wait3A_237 = arith.constant 0 : i32
      %dma_wait3A_238 = tpu.memref_slice %arg21[%add3A_48, %dma_wait3A_237] : memref<10240x128xf32, #tpu.memory_space<vmem_shared>> -> memref<32x128xf32, #tpu.memory_space<vmem_shared>>
      %dma_wait3A_239 = arith.constant 0 : i32
      %dma_wait3A_240 = tpu.memref_slice %arg21[%add3A_48, %dma_wait3A_239] : memref<10240x128xf32, #tpu.memory_space<vmem_shared>> -> memref<32x128xf32, #tpu.memory_space<vmem_shared>>
      tpu.wait_dma2 semaphore(%run_scoped3A : memref<!tpu.dma_semaphore, #tpu.memory_space<semaphore_mem>>) src(%arg19 : memref<32x128xf32, #tpu.memory_space<vmem>>) dst(%dma_wait3A_240 : memref<32x128xf32, #tpu.memory_space<vmem_shared>>)
      tpu.yield
    }) : () -> ()
    %add3A_49 = arith.constant 416 : i32
    %add3A_50 = arith.addi %mul3A_22, %add3A_49 : i32
    "tpu.region"() ({
      %run_scoped3A = tpu.sem_alloc : memref<!tpu.dma_semaphore, #tpu.memory_space<semaphore_mem>>
      %dma_start3A_233 = arith.constant 0 : i32
      %dma_start3A_234 = tpu.memref_slice %arg21[%add3A_50, %dma_start3A_233] : memref<10240x128xf32, #tpu.memory_space<vmem_shared>> -> memref<32x128xf32, #tpu.memory_space<vmem_shared>>
      %dma_start3A_235 = arith.constant 0 : i32
      %dma_start3A_236 = tpu.memref_slice %arg21[%add3A_50, %dma_start3A_235] : memref<10240x128xf32, #tpu.memory_space<vmem_shared>> -> memref<32x128xf32, #tpu.memory_space<vmem_shared>>
      tpu.enqueue_dma source(%arg19 : memref<32x128xf32, #tpu.memory_space<vmem>>) target(%dma_start3A_236 : memref<32x128xf32, #tpu.memory_space<vmem_shared>>) target_semaphore(%run_scoped3A : memref<!tpu.dma_semaphore, #tpu.memory_space<semaphore_mem>>)
      %dma_wait3A_237 = arith.constant 0 : i32
      %dma_wait3A_238 = tpu.memref_slice %arg21[%add3A_50, %dma_wait3A_237] : memref<10240x128xf32, #tpu.memory_space<vmem_shared>> -> memref<32x128xf32, #tpu.memory_space<vmem_shared>>
      %dma_wait3A_239 = arith.constant 0 : i32
      %dma_wait3A_240 = tpu.memref_slice %arg21[%add3A_50, %dma_wait3A_239] : memref<10240x128xf32, #tpu.memory_space<vmem_shared>> -> memref<32x128xf32, #tpu.memory_space<vmem_shared>>
      tpu.wait_dma2 semaphore(%run_scoped3A : memref<!tpu.dma_semaphore, #tpu.memory_space<semaphore_mem>>) src(%arg19 : memref<32x128xf32, #tpu.memory_space<vmem>>) dst(%dma_wait3A_240 : memref<32x128xf32, #tpu.memory_space<vmem_shared>>)
      tpu.yield
    }) : () -> ()
    %add3A_51 = arith.constant 448 : i32
    %add3A_52 = arith.addi %mul3A_22, %add3A_51 : i32
    "tpu.region"() ({
      %run_scoped3A = tpu.sem_alloc : memref<!tpu.dma_semaphore, #tpu.memory_space<semaphore_mem>>
      %dma_start3A_233 = arith.constant 0 : i32
      %dma_start3A_234 = tpu.memref_slice %arg21[%add3A_52, %dma_start3A_233] : memref<10240x128xf32, #tpu.memory_space<vmem_shared>> -> memref<32x128xf32, #tpu.memory_space<vmem_shared>>
      %dma_start3A_235 = arith.constant 0 : i32
      %dma_start3A_236 = tpu.memref_slice %arg21[%add3A_52, %dma_start3A_235] : memref<10240x128xf32, #tpu.memory_space<vmem_shared>> -> memref<32x128xf32, #tpu.memory_space<vmem_shared>>
      tpu.enqueue_dma source(%arg19 : memref<32x128xf32, #tpu.memory_space<vmem>>) target(%dma_start3A_236 : memref<32x128xf32, #tpu.memory_space<vmem_shared>>) target_semaphore(%run_scoped3A : memref<!tpu.dma_semaphore, #tpu.memory_space<semaphore_mem>>)
      %dma_wait3A_237 = arith.constant 0 : i32
      %dma_wait3A_238 = tpu.memref_slice %arg21[%add3A_52, %dma_wait3A_237] : memref<10240x128xf32, #tpu.memory_space<vmem_shared>> -> memref<32x128xf32, #tpu.memory_space<vmem_shared>>
      %dma_wait3A_239 = arith.constant 0 : i32
      %dma_wait3A_240 = tpu.memref_slice %arg21[%add3A_52, %dma_wait3A_239] : memref<10240x128xf32, #tpu.memory_space<vmem_shared>> -> memref<32x128xf32, #tpu.memory_space<vmem_shared>>
      tpu.wait_dma2 semaphore(%run_scoped3A : memref<!tpu.dma_semaphore, #tpu.memory_space<semaphore_mem>>) src(%arg19 : memref<32x128xf32, #tpu.memory_space<vmem>>) dst(%dma_wait3A_240 : memref<32x128xf32, #tpu.memory_space<vmem_shared>>)
      tpu.yield
    }) : () -> ()
    %add3A_53 = arith.constant 480 : i32
    %add3A_54 = arith.addi %mul3A_22, %add3A_53 : i32
    "tpu.region"() ({
      %run_scoped3A = tpu.sem_alloc : memref<!tpu.dma_semaphore, #tpu.memory_space<semaphore_mem>>
      %dma_start3A_233 = arith.constant 0 : i32
      %dma_start3A_234 = tpu.memref_slice %arg21[%add3A_54, %dma_start3A_233] : memref<10240x128xf32, #tpu.memory_space<vmem_shared>> -> memref<32x128xf32, #tpu.memory_space<vmem_shared>>
      %dma_start3A_235 = arith.constant 0 : i32
      %dma_start3A_236 = tpu.memref_slice %arg21[%add3A_54, %dma_start3A_235] : memref<10240x128xf32, #tpu.memory_space<vmem_shared>> -> memref<32x128xf32, #tpu.memory_space<vmem_shared>>
      tpu.enqueue_dma source(%arg19 : memref<32x128xf32, #tpu.memory_space<vmem>>) target(%dma_start3A_236 : memref<32x128xf32, #tpu.memory_space<vmem_shared>>) target_semaphore(%run_scoped3A : memref<!tpu.dma_semaphore, #tpu.memory_space<semaphore_mem>>)
      %dma_wait3A_237 = arith.constant 0 : i32
      %dma_wait3A_238 = tpu.memref_slice %arg21[%add3A_54, %dma_wait3A_237] : memref<10240x128xf32, #tpu.memory_space<vmem_shared>> -> memref<32x128xf32, #tpu.memory_space<vmem_shared>>
      %dma_wait3A_239 = arith.constant 0 : i32
      %dma_wait3A_240 = tpu.memref_slice %arg21[%add3A_54, %dma_wait3A_239] : memref<10240x128xf32, #tpu.memory_space<vmem_shared>> -> memref<32x128xf32, #tpu.memory_space<vmem_shared>>
      tpu.wait_dma2 semaphore(%run_scoped3A : memref<!tpu.dma_semaphore, #tpu.memory_space<semaphore_mem>>) src(%arg19 : memref<32x128xf32, #tpu.memory_space<vmem>>) dst(%dma_wait3A_240 : memref<32x128xf32, #tpu.memory_space<vmem_shared>>)
      tpu.yield
    }) : () -> ()
    %add3A_55 = arith.constant 512 : i32
    %add3A_56 = arith.addi %mul3A_22, %add3A_55 : i32
    "tpu.region"() ({
      %run_scoped3A = tpu.sem_alloc : memref<!tpu.dma_semaphore, #tpu.memory_space<semaphore_mem>>
      %dma_start3A_233 = arith.constant 0 : i32
      %dma_start3A_234 = tpu.memref_slice %arg21[%add3A_56, %dma_start3A_233] : memref<10240x128xf32, #tpu.memory_space<vmem_shared>> -> memref<32x128xf32, #tpu.memory_space<vmem_shared>>
      %dma_start3A_235 = arith.constant 0 : i32
      %dma_start3A_236 = tpu.memref_slice %arg21[%add3A_56, %dma_start3A_235] : memref<10240x128xf32, #tpu.memory_space<vmem_shared>> -> memref<32x128xf32, #tpu.memory_space<vmem_shared>>
      tpu.enqueue_dma source(%arg19 : memref<32x128xf32, #tpu.memory_space<vmem>>) target(%dma_start3A_236 : memref<32x128xf32, #tpu.memory_space<vmem_shared>>) target_semaphore(%run_scoped3A : memref<!tpu.dma_semaphore, #tpu.memory_space<semaphore_mem>>)
      %dma_wait3A_237 = arith.constant 0 : i32
      %dma_wait3A_238 = tpu.memref_slice %arg21[%add3A_56, %dma_wait3A_237] : memref<10240x128xf32, #tpu.memory_space<vmem_shared>> -> memref<32x128xf32, #tpu.memory_space<vmem_shared>>
      %dma_wait3A_239 = arith.constant 0 : i32
      %dma_wait3A_240 = tpu.memref_slice %arg21[%add3A_56, %dma_wait3A_239] : memref<10240x128xf32, #tpu.memory_space<vmem_shared>> -> memref<32x128xf32, #tpu.memory_space<vmem_shared>>
      tpu.wait_dma2 semaphore(%run_scoped3A : memref<!tpu.dma_semaphore, #tpu.memory_space<semaphore_mem>>) src(%arg19 : memref<32x128xf32, #tpu.memory_space<vmem>>) dst(%dma_wait3A_240 : memref<32x128xf32, #tpu.memory_space<vmem_shared>>)
      tpu.yield
    }) : () -> ()
    %add3A_57 = arith.constant 544 : i32
    %add3A_58 = arith.addi %mul3A_22, %add3A_57 : i32
    "tpu.region"() ({
      %run_scoped3A = tpu.sem_alloc : memref<!tpu.dma_semaphore, #tpu.memory_space<semaphore_mem>>
      %dma_start3A_233 = arith.constant 0 : i32
      %dma_start3A_234 = tpu.memref_slice %arg21[%add3A_58, %dma_start3A_233] : memref<10240x128xf32, #tpu.memory_space<vmem_shared>> -> memref<32x128xf32, #tpu.memory_space<vmem_shared>>
      %dma_start3A_235 = arith.constant 0 : i32
      %dma_start3A_236 = tpu.memref_slice %arg21[%add3A_58, %dma_start3A_235] : memref<10240x128xf32, #tpu.memory_space<vmem_shared>> -> memref<32x128xf32, #tpu.memory_space<vmem_shared>>
      tpu.enqueue_dma source(%arg19 : memref<32x128xf32, #tpu.memory_space<vmem>>) target(%dma_start3A_236 : memref<32x128xf32, #tpu.memory_space<vmem_shared>>) target_semaphore(%run_scoped3A : memref<!tpu.dma_semaphore, #tpu.memory_space<semaphore_mem>>)
      %dma_wait3A_237 = arith.constant 0 : i32
      %dma_wait3A_238 = tpu.memref_slice %arg21[%add3A_58, %dma_wait3A_237] : memref<10240x128xf32, #tpu.memory_space<vmem_shared>> -> memref<32x128xf32, #tpu.memory_space<vmem_shared>>
      %dma_wait3A_239 = arith.constant 0 : i32
      %dma_wait3A_240 = tpu.memref_slice %arg21[%add3A_58, %dma_wait3A_239] : memref<10240x128xf32, #tpu.memory_space<vmem_shared>> -> memref<32x128xf32, #tpu.memory_space<vmem_shared>>
      tpu.wait_dma2 semaphore(%run_scoped3A : memref<!tpu.dma_semaphore, #tpu.memory_space<semaphore_mem>>) src(%arg19 : memref<32x128xf32, #tpu.memory_space<vmem>>) dst(%dma_wait3A_240 : memref<32x128xf32, #tpu.memory_space<vmem_shared>>)
      tpu.yield
    }) : () -> ()
    %add3A_59 = arith.constant 576 : i32
    %add3A_60 = arith.addi %mul3A_22, %add3A_59 : i32
    "tpu.region"() ({
      %run_scoped3A = tpu.sem_alloc : memref<!tpu.dma_semaphore, #tpu.memory_space<semaphore_mem>>
      %dma_start3A_233 = arith.constant 0 : i32
      %dma_start3A_234 = tpu.memref_slice %arg21[%add3A_60, %dma_start3A_233] : memref<10240x128xf32, #tpu.memory_space<vmem_shared>> -> memref<32x128xf32, #tpu.memory_space<vmem_shared>>
      %dma_start3A_235 = arith.constant 0 : i32
      %dma_start3A_236 = tpu.memref_slice %arg21[%add3A_60, %dma_start3A_235] : memref<10240x128xf32, #tpu.memory_space<vmem_shared>> -> memref<32x128xf32, #tpu.memory_space<vmem_shared>>
      tpu.enqueue_dma source(%arg19 : memref<32x128xf32, #tpu.memory_space<vmem>>) target(%dma_start3A_236 : memref<32x128xf32, #tpu.memory_space<vmem_shared>>) target_semaphore(%run_scoped3A : memref<!tpu.dma_semaphore, #tpu.memory_space<semaphore_mem>>)
      %dma_wait3A_237 = arith.constant 0 : i32
      %dma_wait3A_238 = tpu.memref_slice %arg21[%add3A_60, %dma_wait3A_237] : memref<10240x128xf32, #tpu.memory_space<vmem_shared>> -> memref<32x128xf32, #tpu.memory_space<vmem_shared>>
      %dma_wait3A_239 = arith.constant 0 : i32
      %dma_wait3A_240 = tpu.memref_slice %arg21[%add3A_60, %dma_wait3A_239] : memref<10240x128xf32, #tpu.memory_space<vmem_shared>> -> memref<32x128xf32, #tpu.memory_space<vmem_shared>>
      tpu.wait_dma2 semaphore(%run_scoped3A : memref<!tpu.dma_semaphore, #tpu.memory_space<semaphore_mem>>) src(%arg19 : memref<32x128xf32, #tpu.memory_space<vmem>>) dst(%dma_wait3A_240 : memref<32x128xf32, #tpu.memory_space<vmem_shared>>)
      tpu.yield
    }) : () -> ()
    %add3A_61 = arith.constant 608 : i32
    %add3A_62 = arith.addi %mul3A_22, %add3A_61 : i32
    "tpu.region"() ({
      %run_scoped3A = tpu.sem_alloc : memref<!tpu.dma_semaphore, #tpu.memory_space<semaphore_mem>>
      %dma_start3A_233 = arith.constant 0 : i32
      %dma_start3A_234 = tpu.memref_slice %arg21[%add3A_62, %dma_start3A_233] : memref<10240x128xf32, #tpu.memory_space<vmem_shared>> -> memref<32x128xf32, #tpu.memory_space<vmem_shared>>
      %dma_start3A_235 = arith.constant 0 : i32
      %dma_start3A_236 = tpu.memref_slice %arg21[%add3A_62, %dma_start3A_235] : memref<10240x128xf32, #tpu.memory_space<vmem_shared>> -> memref<32x128xf32, #tpu.memory_space<vmem_shared>>
      tpu.enqueue_dma source(%arg19 : memref<32x128xf32, #tpu.memory_space<vmem>>) target(%dma_start3A_236 : memref<32x128xf32, #tpu.memory_space<vmem_shared>>) target_semaphore(%run_scoped3A : memref<!tpu.dma_semaphore, #tpu.memory_space<semaphore_mem>>)
      %dma_wait3A_237 = arith.constant 0 : i32
      %dma_wait3A_238 = tpu.memref_slice %arg21[%add3A_62, %dma_wait3A_237] : memref<10240x128xf32, #tpu.memory_space<vmem_shared>> -> memref<32x128xf32, #tpu.memory_space<vmem_shared>>
      %dma_wait3A_239 = arith.constant 0 : i32
      %dma_wait3A_240 = tpu.memref_slice %arg21[%add3A_62, %dma_wait3A_239] : memref<10240x128xf32, #tpu.memory_space<vmem_shared>> -> memref<32x128xf32, #tpu.memory_space<vmem_shared>>
      tpu.wait_dma2 semaphore(%run_scoped3A : memref<!tpu.dma_semaphore, #tpu.memory_space<semaphore_mem>>) src(%arg19 : memref<32x128xf32, #tpu.memory_space<vmem>>) dst(%dma_wait3A_240 : memref<32x128xf32, #tpu.memory_space<vmem_shared>>)
      tpu.yield
    }) : () -> ()
    "tpu.region"() ({
      %run_scoped3A = tpu.sem_alloc : memref<!tpu.dma_semaphore, #tpu.memory_space<semaphore_mem>>
      %dma_start3A_233 = tpu.memref_slice %arg22[%mul3A_22] : memref<10240xf32, #tpu.memory_space<vmem_shared>> -> memref<640xf32, #tpu.memory_space<vmem_shared>>
      %dma_start3A_234 = tpu.memref_slice %arg22[%mul3A_22] : memref<10240xf32, #tpu.memory_space<vmem_shared>> -> memref<640xf32, #tpu.memory_space<vmem_shared>>
      tpu.enqueue_dma source(%arg20 : memref<640xf32, #tpu.memory_space<vmem>>) target(%dma_start3A_234 : memref<640xf32, #tpu.memory_space<vmem_shared>>) target_semaphore(%run_scoped3A : memref<!tpu.dma_semaphore, #tpu.memory_space<semaphore_mem>>)
      %dma_wait3A_235 = tpu.memref_slice %arg22[%mul3A_22] : memref<10240xf32, #tpu.memory_space<vmem_shared>> -> memref<640xf32, #tpu.memory_space<vmem_shared>>
      %dma_wait3A_236 = tpu.memref_slice %arg22[%mul3A_22] : memref<10240xf32, #tpu.memory_space<vmem_shared>> -> memref<640xf32, #tpu.memory_space<vmem_shared>>
      tpu.wait_dma2 semaphore(%run_scoped3A : memref<!tpu.dma_semaphore, #tpu.memory_space<semaphore_mem>>) src(%arg20 : memref<640xf32, #tpu.memory_space<vmem>>) dst(%dma_wait3A_236 : memref<640xf32, #tpu.memory_space<vmem_shared>>)
      tpu.yield
    }) : () -> ()
    %barrier3A = arith.constant 0 : index
    tpu.barrier barrier_id(%barrier3A)
    %mul3A_63 = arith.constant 10000 : i32
    %mul3A_64 = arith.muli %add3A, %mul3A_63 : i32
    %add3A_65 = arith.constant 0 : i32
    %add3A_66 = arith.addi %mul3A_64, %add3A_65 : i32
    %dma_start3A = tpu.memref_slice %arg3[%add3A_66] : memref<640000xi32, #tpu.memory_space<hbm>> -> memref<80xi32, #tpu.memory_space<hbm>>
    %dma_start3A_67 = tpu.memref_slice %arg3[%add3A_66] : memref<640000xi32, #tpu.memory_space<hbm>> -> memref<80xi32, #tpu.memory_space<hbm>>
    tpu.enqueue_dma source(%dma_start3A_67 : memref<80xi32, #tpu.memory_space<hbm>>) target(%arg6 : memref<80xi32, #tpu.memory_space<vmem>>) target_semaphore(%arg23 : memref<!tpu.dma_semaphore, #tpu.memory_space<semaphore_mem>>)
    %add3A_68 = arith.constant 320000 : i32
    %add3A_69 = arith.addi %add3A_68, %add3A_66 : i32
    %dma_start3A_70 = tpu.memref_slice %arg3[%add3A_69] : memref<640000xi32, #tpu.memory_space<hbm>> -> memref<80xi32, #tpu.memory_space<hbm>>
    %dma_start3A_71 = tpu.memref_slice %arg3[%add3A_69] : memref<640000xi32, #tpu.memory_space<hbm>> -> memref<80xi32, #tpu.memory_space<hbm>>
    tpu.enqueue_dma source(%dma_start3A_71 : memref<80xi32, #tpu.memory_space<hbm>>) target(%arg10 : memref<80xi32, #tpu.memory_space<vmem>>) target_semaphore(%arg23 : memref<!tpu.dma_semaphore, #tpu.memory_space<semaphore_mem>>)
    %add3A_72 = arith.constant 80 : i32
    %add3A_73 = arith.addi %mul3A_64, %add3A_72 : i32
    %dma_start3A_74 = tpu.memref_slice %arg3[%add3A_73] : memref<640000xi32, #tpu.memory_space<hbm>> -> memref<80xi32, #tpu.memory_space<hbm>>
    %dma_start3A_75 = tpu.memref_slice %arg3[%add3A_73] : memref<640000xi32, #tpu.memory_space<hbm>> -> memref<80xi32, #tpu.memory_space<hbm>>
    tpu.enqueue_dma source(%dma_start3A_75 : memref<80xi32, #tpu.memory_space<hbm>>) target(%arg7 : memref<80xi32, #tpu.memory_space<vmem>>) target_semaphore(%arg24 : memref<!tpu.dma_semaphore, #tpu.memory_space<semaphore_mem>>)
    %add3A_76 = arith.constant 320000 : i32
    %add3A_77 = arith.addi %add3A_76, %add3A_73 : i32
    %dma_start3A_78 = tpu.memref_slice %arg3[%add3A_77] : memref<640000xi32, #tpu.memory_space<hbm>> -> memref<80xi32, #tpu.memory_space<hbm>>
    %dma_start3A_79 = tpu.memref_slice %arg3[%add3A_77] : memref<640000xi32, #tpu.memory_space<hbm>> -> memref<80xi32, #tpu.memory_space<hbm>>
    tpu.enqueue_dma source(%dma_start3A_79 : memref<80xi32, #tpu.memory_space<hbm>>) target(%arg11 : memref<80xi32, #tpu.memory_space<vmem>>) target_semaphore(%arg24 : memref<!tpu.dma_semaphore, #tpu.memory_space<semaphore_mem>>)
    %dma_wait3A = arith.constant 0 : i32
    %dma_wait3A_80 = tpu.memref_slice %arg3[%dma_wait3A] : memref<640000xi32, #tpu.memory_space<hbm>> -> memref<80xi32, #tpu.memory_space<hbm>>
    %dma_wait3A_81 = arith.constant 0 : i32
    %dma_wait3A_82 = tpu.memref_slice %arg3[%dma_wait3A_81] : memref<640000xi32, #tpu.memory_space<hbm>> -> memref<80xi32, #tpu.memory_space<hbm>>
    tpu.wait_dma2 semaphore(%arg23 : memref<!tpu.dma_semaphore, #tpu.memory_space<semaphore_mem>>) src(%dma_wait3A_82 : memref<80xi32, #tpu.memory_space<hbm>>) dst(%arg6 : memref<80xi32, #tpu.memory_space<vmem>>)
    %dma_wait3A_83 = arith.constant 0 : i32
    %dma_wait3A_84 = tpu.memref_slice %arg3[%dma_wait3A_83] : memref<640000xi32, #tpu.memory_space<hbm>> -> memref<80xi32, #tpu.memory_space<hbm>>
    %dma_wait3A_85 = arith.constant 0 : i32
    %dma_wait3A_86 = tpu.memref_slice %arg3[%dma_wait3A_85] : memref<640000xi32, #tpu.memory_space<hbm>> -> memref<80xi32, #tpu.memory_space<hbm>>
    tpu.wait_dma2 semaphore(%arg23 : memref<!tpu.dma_semaphore, #tpu.memory_space<semaphore_mem>>) src(%dma_wait3A_86 : memref<80xi32, #tpu.memory_space<hbm>>) dst(%arg10 : memref<80xi32, #tpu.memory_space<vmem>>)
    %dma_start3A_87 = arith.constant 0 : i32
    %dma_start3A_88 = arith.constant 0 : i32
    %dma_start3A_89 = tpu.memref_slice %arg2[%dma_start3A_87, %dma_start3A_88] : memref<10000x128xf32, #tpu.memory_space<hbm>> -> memref<10000x128xf32, #tpu.memory_space<hbm>>
    tpu.enqueue_indirect_dma source(%dma_start3A_89 : memref<10000x128xf32, #tpu.memory_space<hbm>>) target(%arg14 : memref<80x128xf32, #tpu.memory_space<vmem>>) offsets(%arg6 : memref<80xi32, #tpu.memory_space<vmem>>) semaphore(%arg27 : memref<!tpu.dma_semaphore, #tpu.memory_space<semaphore_mem>>)
    %add3A_90 = arith.constant 160 : i32
    %add3A_91 = arith.addi %mul3A_64, %add3A_90 : i32
    %dma_start3A_92 = tpu.memref_slice %arg3[%add3A_91] : memref<640000xi32, #tpu.memory_space<hbm>> -> memref<80xi32, #tpu.memory_space<hbm>>
    %dma_start3A_93 = tpu.memref_slice %arg3[%add3A_91] : memref<640000xi32, #tpu.memory_space<hbm>> -> memref<80xi32, #tpu.memory_space<hbm>>
    tpu.enqueue_dma source(%dma_start3A_93 : memref<80xi32, #tpu.memory_space<hbm>>) target(%arg8 : memref<80xi32, #tpu.memory_space<vmem>>) target_semaphore(%arg25 : memref<!tpu.dma_semaphore, #tpu.memory_space<semaphore_mem>>)
    %add3A_94 = arith.constant 320000 : i32
    %add3A_95 = arith.addi %add3A_94, %add3A_91 : i32
    %dma_start3A_96 = tpu.memref_slice %arg3[%add3A_95] : memref<640000xi32, #tpu.memory_space<hbm>> -> memref<80xi32, #tpu.memory_space<hbm>>
    %dma_start3A_97 = tpu.memref_slice %arg3[%add3A_95] : memref<640000xi32, #tpu.memory_space<hbm>> -> memref<80xi32, #tpu.memory_space<hbm>>
    tpu.enqueue_dma source(%dma_start3A_97 : memref<80xi32, #tpu.memory_space<hbm>>) target(%arg12 : memref<80xi32, #tpu.memory_space<vmem>>) target_semaphore(%arg25 : memref<!tpu.dma_semaphore, #tpu.memory_space<semaphore_mem>>)
    %dma_wait3A_98 = arith.constant 0 : i32
    %dma_wait3A_99 = tpu.memref_slice %arg3[%dma_wait3A_98] : memref<640000xi32, #tpu.memory_space<hbm>> -> memref<80xi32, #tpu.memory_space<hbm>>
    %dma_wait3A_100 = arith.constant 0 : i32
    %dma_wait3A_101 = tpu.memref_slice %arg3[%dma_wait3A_100] : memref<640000xi32, #tpu.memory_space<hbm>> -> memref<80xi32, #tpu.memory_space<hbm>>
    tpu.wait_dma2 semaphore(%arg24 : memref<!tpu.dma_semaphore, #tpu.memory_space<semaphore_mem>>) src(%dma_wait3A_101 : memref<80xi32, #tpu.memory_space<hbm>>) dst(%arg7 : memref<80xi32, #tpu.memory_space<vmem>>)
    %dma_wait3A_102 = arith.constant 0 : i32
    %dma_wait3A_103 = tpu.memref_slice %arg3[%dma_wait3A_102] : memref<640000xi32, #tpu.memory_space<hbm>> -> memref<80xi32, #tpu.memory_space<hbm>>
    %dma_wait3A_104 = arith.constant 0 : i32
    %dma_wait3A_105 = tpu.memref_slice %arg3[%dma_wait3A_104] : memref<640000xi32, #tpu.memory_space<hbm>> -> memref<80xi32, #tpu.memory_space<hbm>>
    tpu.wait_dma2 semaphore(%arg24 : memref<!tpu.dma_semaphore, #tpu.memory_space<semaphore_mem>>) src(%dma_wait3A_105 : memref<80xi32, #tpu.memory_space<hbm>>) dst(%arg11 : memref<80xi32, #tpu.memory_space<vmem>>)
    %dma_start3A_106 = arith.constant 0 : i32
    %dma_start3A_107 = arith.constant 0 : i32
    %dma_start3A_108 = tpu.memref_slice %arg2[%dma_start3A_106, %dma_start3A_107] : memref<10000x128xf32, #tpu.memory_space<hbm>> -> memref<10000x128xf32, #tpu.memory_space<hbm>>
    tpu.enqueue_indirect_dma source(%dma_start3A_108 : memref<10000x128xf32, #tpu.memory_space<hbm>>) target(%arg15 : memref<80x128xf32, #tpu.memory_space<vmem>>) offsets(%arg7 : memref<80xi32, #tpu.memory_space<vmem>>) semaphore(%arg28 : memref<!tpu.dma_semaphore, #tpu.memory_space<semaphore_mem>>)
    %dma_wait3A_109 = arith.constant 0 : i32
    %dma_wait3A_110 = arith.constant 0 : i32
    %dma_wait3A_111 = tpu.memref_slice %arg2[%dma_wait3A_109, %dma_wait3A_110] : memref<10000x128xf32, #tpu.memory_space<hbm>> -> memref<10000x128xf32, #tpu.memory_space<hbm>>
    tpu.wait_indirect_dma semaphore(%arg27 : memref<!tpu.dma_semaphore, #tpu.memory_space<semaphore_mem>>) src(%dma_wait3A_111 : memref<10000x128xf32, #tpu.memory_space<hbm>>) dst(%arg14 : memref<80x128xf32, #tpu.memory_space<vmem>>)
    %dma_start3A_112 = arith.constant 0 : i32
    %dma_start3A_113 = arith.constant 0 : i32
    %dma_start3A_114 = tpu.memref_slice %arg21[%dma_start3A_112, %dma_start3A_113] : memref<10240x128xf32, #tpu.memory_space<vmem_shared>> -> memref<10240x128xf32, #tpu.memory_space<vmem_shared>>
    tpu.enqueue_indirect_dma source(%arg14 : memref<80x128xf32, #tpu.memory_space<vmem>>) target(%dma_start3A_114 : memref<10240x128xf32, #tpu.memory_space<vmem_shared>>) offsets(%arg10 : memref<80xi32, #tpu.memory_space<vmem>>) semaphore(%arg31 : memref<!tpu.dma_semaphore, #tpu.memory_space<semaphore_mem>>) {add = true}
    %dma_start3A_115 = arith.constant 0 : i32
    %dma_start3A_116 = tpu.memref_slice %arg22[%dma_start3A_115] : memref<10240xf32, #tpu.memory_space<vmem_shared>> -> memref<10240xf32, #tpu.memory_space<vmem_shared>>
    tpu.enqueue_indirect_dma source(%arg18 : memref<80xf32, #tpu.memory_space<vmem>>) target(%dma_start3A_116 : memref<10240xf32, #tpu.memory_space<vmem_shared>>) offsets(%arg10 : memref<80xi32, #tpu.memory_space<vmem>>) semaphore(%arg31 : memref<!tpu.dma_semaphore, #tpu.memory_space<semaphore_mem>>) {add = true}
    %add3A_117 = arith.constant 240 : i32
    %add3A_118 = arith.addi %mul3A_64, %add3A_117 : i32
    %dma_start3A_119 = tpu.memref_slice %arg3[%add3A_118] : memref<640000xi32, #tpu.memory_space<hbm>> -> memref<80xi32, #tpu.memory_space<hbm>>
    %dma_start3A_120 = tpu.memref_slice %arg3[%add3A_118] : memref<640000xi32, #tpu.memory_space<hbm>> -> memref<80xi32, #tpu.memory_space<hbm>>
    tpu.enqueue_dma source(%dma_start3A_120 : memref<80xi32, #tpu.memory_space<hbm>>) target(%arg9 : memref<80xi32, #tpu.memory_space<vmem>>) target_semaphore(%arg26 : memref<!tpu.dma_semaphore, #tpu.memory_space<semaphore_mem>>)
    %add3A_121 = arith.constant 320000 : i32
    %add3A_122 = arith.addi %add3A_121, %add3A_118 : i32
    %dma_start3A_123 = tpu.memref_slice %arg3[%add3A_122] : memref<640000xi32, #tpu.memory_space<hbm>> -> memref<80xi32, #tpu.memory_space<hbm>>
    %dma_start3A_124 = tpu.memref_slice %arg3[%add3A_122] : memref<640000xi32, #tpu.memory_space<hbm>> -> memref<80xi32, #tpu.memory_space<hbm>>
    tpu.enqueue_dma source(%dma_start3A_124 : memref<80xi32, #tpu.memory_space<hbm>>) target(%arg13 : memref<80xi32, #tpu.memory_space<vmem>>) target_semaphore(%arg26 : memref<!tpu.dma_semaphore, #tpu.memory_space<semaphore_mem>>)
    %dma_wait3A_125 = arith.constant 0 : i32
    %dma_wait3A_126 = tpu.memref_slice %arg3[%dma_wait3A_125] : memref<640000xi32, #tpu.memory_space<hbm>> -> memref<80xi32, #tpu.memory_space<hbm>>
    %dma_wait3A_127 = arith.constant 0 : i32
    %dma_wait3A_128 = tpu.memref_slice %arg3[%dma_wait3A_127] : memref<640000xi32, #tpu.memory_space<hbm>> -> memref<80xi32, #tpu.memory_space<hbm>>
    tpu.wait_dma2 semaphore(%arg25 : memref<!tpu.dma_semaphore, #tpu.memory_space<semaphore_mem>>) src(%dma_wait3A_128 : memref<80xi32, #tpu.memory_space<hbm>>) dst(%arg8 : memref<80xi32, #tpu.memory_space<vmem>>)
    %dma_wait3A_129 = arith.constant 0 : i32
    %dma_wait3A_130 = tpu.memref_slice %arg3[%dma_wait3A_129] : memref<640000xi32, #tpu.memory_space<hbm>> -> memref<80xi32, #tpu.memory_space<hbm>>
    %dma_wait3A_131 = arith.constant 0 : i32
    %dma_wait3A_132 = tpu.memref_slice %arg3[%dma_wait3A_131] : memref<640000xi32, #tpu.memory_space<hbm>> -> memref<80xi32, #tpu.memory_space<hbm>>
    tpu.wait_dma2 semaphore(%arg25 : memref<!tpu.dma_semaphore, #tpu.memory_space<semaphore_mem>>) src(%dma_wait3A_132 : memref<80xi32, #tpu.memory_space<hbm>>) dst(%arg12 : memref<80xi32, #tpu.memory_space<vmem>>)
    %dma_start3A_133 = arith.constant 0 : i32
    %dma_start3A_134 = arith.constant 0 : i32
    %dma_start3A_135 = tpu.memref_slice %arg2[%dma_start3A_133, %dma_start3A_134] : memref<10000x128xf32, #tpu.memory_space<hbm>> -> memref<10000x128xf32, #tpu.memory_space<hbm>>
    tpu.enqueue_indirect_dma source(%dma_start3A_135 : memref<10000x128xf32, #tpu.memory_space<hbm>>) target(%arg16 : memref<80x128xf32, #tpu.memory_space<vmem>>) offsets(%arg8 : memref<80xi32, #tpu.memory_space<vmem>>) semaphore(%arg29 : memref<!tpu.dma_semaphore, #tpu.memory_space<semaphore_mem>>)
    %dma_wait3A_136 = arith.constant 0 : i32
    %dma_wait3A_137 = arith.constant 0 : i32
    %dma_wait3A_138 = tpu.memref_slice %arg2[%dma_wait3A_136, %dma_wait3A_137] : memref<10000x128xf32, #tpu.memory_space<hbm>> -> memref<10000x128xf32, #tpu.memory_space<hbm>>
    tpu.wait_indirect_dma semaphore(%arg28 : memref<!tpu.dma_semaphore, #tpu.memory_space<semaphore_mem>>) src(%dma_wait3A_138 : memref<10000x128xf32, #tpu.memory_space<hbm>>) dst(%arg15 : memref<80x128xf32, #tpu.memory_space<vmem>>)
    %dma_start3A_139 = arith.constant 0 : i32
    %dma_start3A_140 = arith.constant 0 : i32
    %dma_start3A_141 = tpu.memref_slice %arg21[%dma_start3A_139, %dma_start3A_140] : memref<10240x128xf32, #tpu.memory_space<vmem_shared>> -> memref<10240x128xf32, #tpu.memory_space<vmem_shared>>
    tpu.enqueue_indirect_dma source(%arg15 : memref<80x128xf32, #tpu.memory_space<vmem>>) target(%dma_start3A_141 : memref<10240x128xf32, #tpu.memory_space<vmem_shared>>) offsets(%arg11 : memref<80xi32, #tpu.memory_space<vmem>>) semaphore(%arg32 : memref<!tpu.dma_semaphore, #tpu.memory_space<semaphore_mem>>) {add = true}
    %dma_start3A_142 = arith.constant 0 : i32
    %dma_start3A_143 = tpu.memref_slice %arg22[%dma_start3A_142] : memref<10240xf32, #tpu.memory_space<vmem_shared>> -> memref<10240xf32, #tpu.memory_space<vmem_shared>>
    tpu.enqueue_indirect_dma source(%arg18 : memref<80xf32, #tpu.memory_space<vmem>>) target(%dma_start3A_143 : memref<10240xf32, #tpu.memory_space<vmem_shared>>) offsets(%arg11 : memref<80xi32, #tpu.memory_space<vmem>>) semaphore(%arg32 : memref<!tpu.dma_semaphore, #tpu.memory_space<semaphore_mem>>) {add = true}
    %scan3A_144 = arith.constant 0 : i32
    %scan3A_145 = arith.constant 1 : i32
    %scan3A_146 = arith.constant 30 : i32
    %scan3A_147 = arith.addi %scan3A_145, %scan3A_146 : i32
    %scan3A_148 = arith.constant 1 : i32
    scf.for %scan3A_233 = %scan3A_145 to %scan3A_147 step %scan3A_148  : i32 {
      %mul3A_234 = arith.constant 4 : i32
      %mul3A_235 = arith.muli %mul3A_234, %scan3A_233 : i32
      %dma_wait3A_236 = arith.constant 0 : i32
      %dma_wait3A_237 = arith.constant 0 : i32
      %dma_wait3A_238 = tpu.memref_slice %arg21[%dma_wait3A_236, %dma_wait3A_237] : memref<10240x128xf32, #tpu.memory_space<vmem_shared>> -> memref<10240x128xf32, #tpu.memory_space<vmem_shared>>
      tpu.wait_indirect_dma semaphore(%arg31 : memref<!tpu.dma_semaphore, #tpu.memory_space<semaphore_mem>>) src(%arg14 : memref<80x128xf32, #tpu.memory_space<vmem>>) dst(%dma_wait3A_238 : memref<10240x128xf32, #tpu.memory_space<vmem_shared>>)
      %dma_wait3A_239 = arith.constant 0 : i32
      %dma_wait3A_240 = tpu.memref_slice %arg22[%dma_wait3A_239] : memref<10240xf32, #tpu.memory_space<vmem_shared>> -> memref<10240xf32, #tpu.memory_space<vmem_shared>>
      tpu.wait_indirect_dma semaphore(%arg31 : memref<!tpu.dma_semaphore, #tpu.memory_space<semaphore_mem>>) src(%arg18 : memref<80xf32, #tpu.memory_space<vmem>>) dst(%dma_wait3A_240 : memref<10240xf32, #tpu.memory_space<vmem_shared>>)
      %add3A_241 = arith.constant 0 : i32
      %add3A_242 = arith.addi %mul3A_235, %add3A_241 : i32
      %mul3A_243 = arith.constant 80 : i32
      %mul3A_244 = arith.muli %add3A_242, %mul3A_243 : i32
      %add3A_245 = arith.addi %mul3A_64, %mul3A_244 : i32
      %dma_start3A_246 = tpu.memref_slice %arg3[%add3A_245] : memref<640000xi32, #tpu.memory_space<hbm>> -> memref<80xi32, #tpu.memory_space<hbm>>
      %dma_start3A_247 = tpu.memref_slice %arg3[%add3A_245] : memref<640000xi32, #tpu.memory_space<hbm>> -> memref<80xi32, #tpu.memory_space<hbm>>
      tpu.enqueue_dma source(%dma_start3A_247 : memref<80xi32, #tpu.memory_space<hbm>>) target(%arg6 : memref<80xi32, #tpu.memory_space<vmem>>) target_semaphore(%arg23 : memref<!tpu.dma_semaphore, #tpu.memory_space<semaphore_mem>>)
      %add3A_248 = arith.constant 320000 : i32
      %add3A_249 = arith.addi %add3A_248, %add3A_245 : i32
      %dma_start3A_250 = tpu.memref_slice %arg3[%add3A_249] : memref<640000xi32, #tpu.memory_space<hbm>> -> memref<80xi32, #tpu.memory_space<hbm>>
      %dma_start3A_251 = tpu.memref_slice %arg3[%add3A_249] : memref<640000xi32, #tpu.memory_space<hbm>> -> memref<80xi32, #tpu.memory_space<hbm>>
      tpu.enqueue_dma source(%dma_start3A_251 : memref<80xi32, #tpu.memory_space<hbm>>) target(%arg10 : memref<80xi32, #tpu.memory_space<vmem>>) target_semaphore(%arg23 : memref<!tpu.dma_semaphore, #tpu.memory_space<semaphore_mem>>)
      %dma_wait3A_252 = arith.constant 0 : i32
      %dma_wait3A_253 = tpu.memref_slice %arg3[%dma_wait3A_252] : memref<640000xi32, #tpu.memory_space<hbm>> -> memref<80xi32, #tpu.memory_space<hbm>>
      %dma_wait3A_254 = arith.constant 0 : i32
      %dma_wait3A_255 = tpu.memref_slice %arg3[%dma_wait3A_254] : memref<640000xi32, #tpu.memory_space<hbm>> -> memref<80xi32, #tpu.memory_space<hbm>>
      tpu.wait_dma2 semaphore(%arg26 : memref<!tpu.dma_semaphore, #tpu.memory_space<semaphore_mem>>) src(%dma_wait3A_255 : memref<80xi32, #tpu.memory_space<hbm>>) dst(%arg9 : memref<80xi32, #tpu.memory_space<vmem>>)
      %dma_wait3A_256 = arith.constant 0 : i32
      %dma_wait3A_257 = tpu.memref_slice %arg3[%dma_wait3A_256] : memref<640000xi32, #tpu.memory_space<hbm>> -> memref<80xi32, #tpu.memory_space<hbm>>
      %dma_wait3A_258 = arith.constant 0 : i32
      %dma_wait3A_259 = tpu.memref_slice %arg3[%dma_wait3A_258] : memref<640000xi32, #tpu.memory_space<hbm>> -> memref<80xi32, #tpu.memory_space<hbm>>
      tpu.wait_dma2 semaphore(%arg26 : memref<!tpu.dma_semaphore, #tpu.memory_space<semaphore_mem>>) src(%dma_wait3A_259 : memref<80xi32, #tpu.memory_space<hbm>>) dst(%arg13 : memref<80xi32, #tpu.memory_space<vmem>>)
      %dma_start3A_260 = arith.constant 0 : i32
      %dma_start3A_261 = arith.constant 0 : i32
      %dma_start3A_262 = tpu.memref_slice %arg2[%dma_start3A_260, %dma_start3A_261] : memref<10000x128xf32, #tpu.memory_space<hbm>> -> memref<10000x128xf32, #tpu.memory_space<hbm>>
      tpu.enqueue_indirect_dma source(%dma_start3A_262 : memref<10000x128xf32, #tpu.memory_space<hbm>>) target(%arg17 : memref<80x128xf32, #tpu.memory_space<vmem>>) offsets(%arg9 : memref<80xi32, #tpu.memory_space<vmem>>) semaphore(%arg30 : memref<!tpu.dma_semaphore, #tpu.memory_space<semaphore_mem>>)
      %dma_wait3A_263 = arith.constant 0 : i32
      %dma_wait3A_264 = arith.constant 0 : i32
      %dma_wait3A_265 = tpu.memref_slice %arg2[%dma_wait3A_263, %dma_wait3A_264] : memref<10000x128xf32, #tpu.memory_space<hbm>> -> memref<10000x128xf32, #tpu.memory_space<hbm>>
      tpu.wait_indirect_dma semaphore(%arg29 : memref<!tpu.dma_semaphore, #tpu.memory_space<semaphore_mem>>) src(%dma_wait3A_265 : memref<10000x128xf32, #tpu.memory_space<hbm>>) dst(%arg16 : memref<80x128xf32, #tpu.memory_space<vmem>>)
      %dma_start3A_266 = arith.constant 0 : i32
      %dma_start3A_267 = arith.constant 0 : i32
      %dma_start3A_268 = tpu.memref_slice %arg21[%dma_start3A_266, %dma_start3A_267] : memref<10240x128xf32, #tpu.memory_space<vmem_shared>> -> memref<10240x128xf32, #tpu.memory_space<vmem_shared>>
      tpu.enqueue_indirect_dma source(%arg16 : memref<80x128xf32, #tpu.memory_space<vmem>>) target(%dma_start3A_268 : memref<10240x128xf32, #tpu.memory_space<vmem_shared>>) offsets(%arg12 : memref<80xi32, #tpu.memory_space<vmem>>) semaphore(%arg33 : memref<!tpu.dma_semaphore, #tpu.memory_space<semaphore_mem>>) {add = true}
      %dma_start3A_269 = arith.constant 0 : i32
      %dma_start3A_270 = tpu.memref_slice %arg22[%dma_start3A_269] : memref<10240xf32, #tpu.memory_space<vmem_shared>> -> memref<10240xf32, #tpu.memory_space<vmem_shared>>
      tpu.enqueue_indirect_dma source(%arg18 : memref<80xf32, #tpu.memory_space<vmem>>) target(%dma_start3A_270 : memref<10240xf32, #tpu.memory_space<vmem_shared>>) offsets(%arg12 : memref<80xi32, #tpu.memory_space<vmem>>) semaphore(%arg33 : memref<!tpu.dma_semaphore, #tpu.memory_space<semaphore_mem>>) {add = true}
      %dma_wait3A_271 = arith.constant 0 : i32
      %dma_wait3A_272 = arith.constant 0 : i32
      %dma_wait3A_273 = tpu.memref_slice %arg21[%dma_wait3A_271, %dma_wait3A_272] : memref<10240x128xf32, #tpu.memory_space<vmem_shared>> -> memref<10240x128xf32, #tpu.memory_space<vmem_shared>>
      tpu.wait_indirect_dma semaphore(%arg32 : memref<!tpu.dma_semaphore, #tpu.memory_space<semaphore_mem>>) src(%arg15 : memref<80x128xf32, #tpu.memory_space<vmem>>) dst(%dma_wait3A_273 : memref<10240x128xf32, #tpu.memory_space<vmem_shared>>)
      %dma_wait3A_274 = arith.constant 0 : i32
      %dma_wait3A_275 = tpu.memref_slice %arg22[%dma_wait3A_274] : memref<10240xf32, #tpu.memory_space<vmem_shared>> -> memref<10240xf32, #tpu.memory_space<vmem_shared>>
      tpu.wait_indirect_dma semaphore(%arg32 : memref<!tpu.dma_semaphore, #tpu.memory_space<semaphore_mem>>) src(%arg18 : memref<80xf32, #tpu.memory_space<vmem>>) dst(%dma_wait3A_275 : memref<10240xf32, #tpu.memory_space<vmem_shared>>)
      %add3A_276 = arith.constant 1 : i32
      %add3A_277 = arith.addi %mul3A_235, %add3A_276 : i32
      %mul3A_278 = arith.constant 80 : i32
      %mul3A_279 = arith.muli %add3A_277, %mul3A_278 : i32
      %add3A_280 = arith.addi %mul3A_64, %mul3A_279 : i32
      %dma_start3A_281 = tpu.memref_slice %arg3[%add3A_280] : memref<640000xi32, #tpu.memory_space<hbm>> -> memref<80xi32, #tpu.memory_space<hbm>>
      %dma_start3A_282 = tpu.memref_slice %arg3[%add3A_280] : memref<640000xi32, #tpu.memory_space<hbm>> -> memref<80xi32, #tpu.memory_space<hbm>>
      tpu.enqueue_dma source(%dma_start3A_282 : memref<80xi32, #tpu.memory_space<hbm>>) target(%arg7 : memref<80xi32, #tpu.memory_space<vmem>>) target_semaphore(%arg24 : memref<!tpu.dma_semaphore, #tpu.memory_space<semaphore_mem>>)
      %add3A_283 = arith.constant 320000 : i32
      %add3A_284 = arith.addi %add3A_283, %add3A_280 : i32
      %dma_start3A_285 = tpu.memref_slice %arg3[%add3A_284] : memref<640000xi32, #tpu.memory_space<hbm>> -> memref<80xi32, #tpu.memory_space<hbm>>
      %dma_start3A_286 = tpu.memref_slice %arg3[%add3A_284] : memref<640000xi32, #tpu.memory_space<hbm>> -> memref<80xi32, #tpu.memory_space<hbm>>
      tpu.enqueue_dma source(%dma_start3A_286 : memref<80xi32, #tpu.memory_space<hbm>>) target(%arg11 : memref<80xi32, #tpu.memory_space<vmem>>) target_semaphore(%arg24 : memref<!tpu.dma_semaphore, #tpu.memory_space<semaphore_mem>>)
      %dma_wait3A_287 = arith.constant 0 : i32
      %dma_wait3A_288 = tpu.memref_slice %arg3[%dma_wait3A_287] : memref<640000xi32, #tpu.memory_space<hbm>> -> memref<80xi32, #tpu.memory_space<hbm>>
      %dma_wait3A_289 = arith.constant 0 : i32
      %dma_wait3A_290 = tpu.memref_slice %arg3[%dma_wait3A_289] : memref<640000xi32, #tpu.memory_space<hbm>> -> memref<80xi32, #tpu.memory_space<hbm>>
      tpu.wait_dma2 semaphore(%arg23 : memref<!tpu.dma_semaphore, #tpu.memory_space<semaphore_mem>>) src(%dma_wait3A_290 : memref<80xi32, #tpu.memory_space<hbm>>) dst(%arg6 : memref<80xi32, #tpu.memory_space<vmem>>)
      %dma_wait3A_291 = arith.constant 0 : i32
      %dma_wait3A_292 = tpu.memref_slice %arg3[%dma_wait3A_291] : memref<640000xi32, #tpu.memory_space<hbm>> -> memref<80xi32, #tpu.memory_space<hbm>>
      %dma_wait3A_293 = arith.constant 0 : i32
      %dma_wait3A_294 = tpu.memref_slice %arg3[%dma_wait3A_293] : memref<640000xi32, #tpu.memory_space<hbm>> -> memref<80xi32, #tpu.memory_space<hbm>>
      tpu.wait_dma2 semaphore(%arg23 : memref<!tpu.dma_semaphore, #tpu.memory_space<semaphore_mem>>) src(%dma_wait3A_294 : memref<80xi32, #tpu.memory_space<hbm>>) dst(%arg10 : memref<80xi32, #tpu.memory_space<vmem>>)
      %dma_start3A_295 = arith.constant 0 : i32
      %dma_start3A_296 = arith.constant 0 : i32
      %dma_start3A_297 = tpu.memref_slice %arg2[%dma_start3A_295, %dma_start3A_296] : memref<10000x128xf32, #tpu.memory_space<hbm>> -> memref<10000x128xf32, #tpu.memory_space<hbm>>
      tpu.enqueue_indirect_dma source(%dma_start3A_297 : memref<10000x128xf32, #tpu.memory_space<hbm>>) target(%arg14 : memref<80x128xf32, #tpu.memory_space<vmem>>) offsets(%arg6 : memref<80xi32, #tpu.memory_space<vmem>>) semaphore(%arg27 : memref<!tpu.dma_semaphore, #tpu.memory_space<semaphore_mem>>)
      %dma_wait3A_298 = arith.constant 0 : i32
      %dma_wait3A_299 = arith.constant 0 : i32
      %dma_wait3A_300 = tpu.memref_slice %arg2[%dma_wait3A_298, %dma_wait3A_299] : memref<10000x128xf32, #tpu.memory_space<hbm>> -> memref<10000x128xf32, #tpu.memory_space<hbm>>
      tpu.wait_indirect_dma semaphore(%arg30 : memref<!tpu.dma_semaphore, #tpu.memory_space<semaphore_mem>>) src(%dma_wait3A_300 : memref<10000x128xf32, #tpu.memory_space<hbm>>) dst(%arg17 : memref<80x128xf32, #tpu.memory_space<vmem>>)
      %dma_start3A_301 = arith.constant 0 : i32
      %dma_start3A_302 = arith.constant 0 : i32
      %dma_start3A_303 = tpu.memref_slice %arg21[%dma_start3A_301, %dma_start3A_302] : memref<10240x128xf32, #tpu.memory_space<vmem_shared>> -> memref<10240x128xf32, #tpu.memory_space<vmem_shared>>
      tpu.enqueue_indirect_dma source(%arg17 : memref<80x128xf32, #tpu.memory_space<vmem>>) target(%dma_start3A_303 : memref<10240x128xf32, #tpu.memory_space<vmem_shared>>) offsets(%arg13 : memref<80xi32, #tpu.memory_space<vmem>>) semaphore(%arg34 : memref<!tpu.dma_semaphore, #tpu.memory_space<semaphore_mem>>) {add = true}
      %dma_start3A_304 = arith.constant 0 : i32
      %dma_start3A_305 = tpu.memref_slice %arg22[%dma_start3A_304] : memref<10240xf32, #tpu.memory_space<vmem_shared>> -> memref<10240xf32, #tpu.memory_space<vmem_shared>>
      tpu.enqueue_indirect_dma source(%arg18 : memref<80xf32, #tpu.memory_space<vmem>>) target(%dma_start3A_305 : memref<10240xf32, #tpu.memory_space<vmem_shared>>) offsets(%arg13 : memref<80xi32, #tpu.memory_space<vmem>>) semaphore(%arg34 : memref<!tpu.dma_semaphore, #tpu.memory_space<semaphore_mem>>) {add = true}
      %dma_wait3A_306 = arith.constant 0 : i32
      %dma_wait3A_307 = arith.constant 0 : i32
      %dma_wait3A_308 = tpu.memref_slice %arg21[%dma_wait3A_306, %dma_wait3A_307] : memref<10240x128xf32, #tpu.memory_space<vmem_shared>> -> memref<10240x128xf32, #tpu.memory_space<vmem_shared>>
      tpu.wait_indirect_dma semaphore(%arg33 : memref<!tpu.dma_semaphore, #tpu.memory_space<semaphore_mem>>) src(%arg16 : memref<80x128xf32, #tpu.memory_space<vmem>>) dst(%dma_wait3A_308 : memref<10240x128xf32, #tpu.memory_space<vmem_shared>>)
      %dma_wait3A_309 = arith.constant 0 : i32
      %dma_wait3A_310 = tpu.memref_slice %arg22[%dma_wait3A_309] : memref<10240xf32, #tpu.memory_space<vmem_shared>> -> memref<10240xf32, #tpu.memory_space<vmem_shared>>
      tpu.wait_indirect_dma semaphore(%arg33 : memref<!tpu.dma_semaphore, #tpu.memory_space<semaphore_mem>>) src(%arg18 : memref<80xf32, #tpu.memory_space<vmem>>) dst(%dma_wait3A_310 : memref<10240xf32, #tpu.memory_space<vmem_shared>>)
      %add3A_311 = arith.constant 2 : i32
      %add3A_312 = arith.addi %mul3A_235, %add3A_311 : i32
      %mul3A_313 = arith.constant 80 : i32
      %mul3A_314 = arith.muli %add3A_312, %mul3A_313 : i32
      %add3A_315 = arith.addi %mul3A_64, %mul3A_314 : i32
      %dma_start3A_316 = tpu.memref_slice %arg3[%add3A_315] : memref<640000xi32, #tpu.memory_space<hbm>> -> memref<80xi32, #tpu.memory_space<hbm>>
      %dma_start3A_317 = tpu.memref_slice %arg3[%add3A_315] : memref<640000xi32, #tpu.memory_space<hbm>> -> memref<80xi32, #tpu.memory_space<hbm>>
      tpu.enqueue_dma source(%dma_start3A_317 : memref<80xi32, #tpu.memory_space<hbm>>) target(%arg8 : memref<80xi32, #tpu.memory_space<vmem>>) target_semaphore(%arg25 : memref<!tpu.dma_semaphore, #tpu.memory_space<semaphore_mem>>)
      %add3A_318 = arith.constant 320000 : i32
      %add3A_319 = arith.addi %add3A_318, %add3A_315 : i32
      %dma_start3A_320 = tpu.memref_slice %arg3[%add3A_319] : memref<640000xi32, #tpu.memory_space<hbm>> -> memref<80xi32, #tpu.memory_space<hbm>>
      %dma_start3A_321 = tpu.memref_slice %arg3[%add3A_319] : memref<640000xi32, #tpu.memory_space<hbm>> -> memref<80xi32, #tpu.memory_space<hbm>>
      tpu.enqueue_dma source(%dma_start3A_321 : memref<80xi32, #tpu.memory_space<hbm>>) target(%arg12 : memref<80xi32, #tpu.memory_space<vmem>>) target_semaphore(%arg25 : memref<!tpu.dma_semaphore, #tpu.memory_space<semaphore_mem>>)
      %dma_wait3A_322 = arith.constant 0 : i32
      %dma_wait3A_323 = tpu.memref_slice %arg3[%dma_wait3A_322] : memref<640000xi32, #tpu.memory_space<hbm>> -> memref<80xi32, #tpu.memory_space<hbm>>
      %dma_wait3A_324 = arith.constant 0 : i32
      %dma_wait3A_325 = tpu.memref_slice %arg3[%dma_wait3A_324] : memref<640000xi32, #tpu.memory_space<hbm>> -> memref<80xi32, #tpu.memory_space<hbm>>
      tpu.wait_dma2 semaphore(%arg24 : memref<!tpu.dma_semaphore, #tpu.memory_space<semaphore_mem>>) src(%dma_wait3A_325 : memref<80xi32, #tpu.memory_space<hbm>>) dst(%arg7 : memref<80xi32, #tpu.memory_space<vmem>>)
      %dma_wait3A_326 = arith.constant 0 : i32
      %dma_wait3A_327 = tpu.memref_slice %arg3[%dma_wait3A_326] : memref<640000xi32, #tpu.memory_space<hbm>> -> memref<80xi32, #tpu.memory_space<hbm>>
      %dma_wait3A_328 = arith.constant 0 : i32
      %dma_wait3A_329 = tpu.memref_slice %arg3[%dma_wait3A_328] : memref<640000xi32, #tpu.memory_space<hbm>> -> memref<80xi32, #tpu.memory_space<hbm>>
      tpu.wait_dma2 semaphore(%arg24 : memref<!tpu.dma_semaphore, #tpu.memory_space<semaphore_mem>>) src(%dma_wait3A_329 : memref<80xi32, #tpu.memory_space<hbm>>) dst(%arg11 : memref<80xi32, #tpu.memory_space<vmem>>)
      %dma_start3A_330 = arith.constant 0 : i32
      %dma_start3A_331 = arith.constant 0 : i32
      %dma_start3A_332 = tpu.memref_slice %arg2[%dma_start3A_330, %dma_start3A_331] : memref<10000x128xf32, #tpu.memory_space<hbm>> -> memref<10000x128xf32, #tpu.memory_space<hbm>>
      tpu.enqueue_indirect_dma source(%dma_start3A_332 : memref<10000x128xf32, #tpu.memory_space<hbm>>) target(%arg15 : memref<80x128xf32, #tpu.memory_space<vmem>>) offsets(%arg7 : memref<80xi32, #tpu.memory_space<vmem>>) semaphore(%arg28 : memref<!tpu.dma_semaphore, #tpu.memory_space<semaphore_mem>>)
      %dma_wait3A_333 = arith.constant 0 : i32
      %dma_wait3A_334 = arith.constant 0 : i32
      %dma_wait3A_335 = tpu.memref_slice %arg2[%dma_wait3A_333, %dma_wait3A_334] : memref<10000x128xf32, #tpu.memory_space<hbm>> -> memref<10000x128xf32, #tpu.memory_space<hbm>>
      tpu.wait_indirect_dma semaphore(%arg27 : memref<!tpu.dma_semaphore, #tpu.memory_space<semaphore_mem>>) src(%dma_wait3A_335 : memref<10000x128xf32, #tpu.memory_space<hbm>>) dst(%arg14 : memref<80x128xf32, #tpu.memory_space<vmem>>)
      %dma_start3A_336 = arith.constant 0 : i32
      %dma_start3A_337 = arith.constant 0 : i32
      %dma_start3A_338 = tpu.memref_slice %arg21[%dma_start3A_336, %dma_start3A_337] : memref<10240x128xf32, #tpu.memory_space<vmem_shared>> -> memref<10240x128xf32, #tpu.memory_space<vmem_shared>>
      tpu.enqueue_indirect_dma source(%arg14 : memref<80x128xf32, #tpu.memory_space<vmem>>) target(%dma_start3A_338 : memref<10240x128xf32, #tpu.memory_space<vmem_shared>>) offsets(%arg10 : memref<80xi32, #tpu.memory_space<vmem>>) semaphore(%arg31 : memref<!tpu.dma_semaphore, #tpu.memory_space<semaphore_mem>>) {add = true}
      %dma_start3A_339 = arith.constant 0 : i32
      %dma_start3A_340 = tpu.memref_slice %arg22[%dma_start3A_339] : memref<10240xf32, #tpu.memory_space<vmem_shared>> -> memref<10240xf32, #tpu.memory_space<vmem_shared>>
      tpu.enqueue_indirect_dma source(%arg18 : memref<80xf32, #tpu.memory_space<vmem>>) target(%dma_start3A_340 : memref<10240xf32, #tpu.memory_space<vmem_shared>>) offsets(%arg10 : memref<80xi32, #tpu.memory_space<vmem>>) semaphore(%arg31 : memref<!tpu.dma_semaphore, #tpu.memory_space<semaphore_mem>>) {add = true}
      %dma_wait3A_341 = arith.constant 0 : i32
      %dma_wait3A_342 = arith.constant 0 : i32
      %dma_wait3A_343 = tpu.memref_slice %arg21[%dma_wait3A_341, %dma_wait3A_342] : memref<10240x128xf32, #tpu.memory_space<vmem_shared>> -> memref<10240x128xf32, #tpu.memory_space<vmem_shared>>
      tpu.wait_indirect_dma semaphore(%arg34 : memref<!tpu.dma_semaphore, #tpu.memory_space<semaphore_mem>>) src(%arg17 : memref<80x128xf32, #tpu.memory_space<vmem>>) dst(%dma_wait3A_343 : memref<10240x128xf32, #tpu.memory_space<vmem_shared>>)
      %dma_wait3A_344 = arith.constant 0 : i32
      %dma_wait3A_345 = tpu.memref_slice %arg22[%dma_wait3A_344] : memref<10240xf32, #tpu.memory_space<vmem_shared>> -> memref<10240xf32, #tpu.memory_space<vmem_shared>>
      tpu.wait_indirect_dma semaphore(%arg34 : memref<!tpu.dma_semaphore, #tpu.memory_space<semaphore_mem>>) src(%arg18 : memref<80xf32, #tpu.memory_space<vmem>>) dst(%dma_wait3A_345 : memref<10240xf32, #tpu.memory_space<vmem_shared>>)
      %add3A_346 = arith.constant 3 : i32
      %add3A_347 = arith.addi %mul3A_235, %add3A_346 : i32
      %mul3A_348 = arith.constant 80 : i32
      %mul3A_349 = arith.muli %add3A_347, %mul3A_348 : i32
      %add3A_350 = arith.addi %mul3A_64, %mul3A_349 : i32
      %dma_start3A_351 = tpu.memref_slice %arg3[%add3A_350] : memref<640000xi32, #tpu.memory_space<hbm>> -> memref<80xi32, #tpu.memory_space<hbm>>
      %dma_start3A_352 = tpu.memref_slice %arg3[%add3A_350] : memref<640000xi32, #tpu.memory_space<hbm>> -> memref<80xi32, #tpu.memory_space<hbm>>
      tpu.enqueue_dma source(%dma_start3A_352 : memref<80xi32, #tpu.memory_space<hbm>>) target(%arg9 : memref<80xi32, #tpu.memory_space<vmem>>) target_semaphore(%arg26 : memref<!tpu.dma_semaphore, #tpu.memory_space<semaphore_mem>>)
      %add3A_353 = arith.constant 320000 : i32
      %add3A_354 = arith.addi %add3A_353, %add3A_350 : i32
      %dma_start3A_355 = tpu.memref_slice %arg3[%add3A_354] : memref<640000xi32, #tpu.memory_space<hbm>> -> memref<80xi32, #tpu.memory_space<hbm>>
      %dma_start3A_356 = tpu.memref_slice %arg3[%add3A_354] : memref<640000xi32, #tpu.memory_space<hbm>> -> memref<80xi32, #tpu.memory_space<hbm>>
      tpu.enqueue_dma source(%dma_start3A_356 : memref<80xi32, #tpu.memory_space<hbm>>) target(%arg13 : memref<80xi32, #tpu.memory_space<vmem>>) target_semaphore(%arg26 : memref<!tpu.dma_semaphore, #tpu.memory_space<semaphore_mem>>)
      %dma_wait3A_357 = arith.constant 0 : i32
      %dma_wait3A_358 = tpu.memref_slice %arg3[%dma_wait3A_357] : memref<640000xi32, #tpu.memory_space<hbm>> -> memref<80xi32, #tpu.memory_space<hbm>>
      %dma_wait3A_359 = arith.constant 0 : i32
      %dma_wait3A_360 = tpu.memref_slice %arg3[%dma_wait3A_359] : memref<640000xi32, #tpu.memory_space<hbm>> -> memref<80xi32, #tpu.memory_space<hbm>>
      tpu.wait_dma2 semaphore(%arg25 : memref<!tpu.dma_semaphore, #tpu.memory_space<semaphore_mem>>) src(%dma_wait3A_360 : memref<80xi32, #tpu.memory_space<hbm>>) dst(%arg8 : memref<80xi32, #tpu.memory_space<vmem>>)
      %dma_wait3A_361 = arith.constant 0 : i32
      %dma_wait3A_362 = tpu.memref_slice %arg3[%dma_wait3A_361] : memref<640000xi32, #tpu.memory_space<hbm>> -> memref<80xi32, #tpu.memory_space<hbm>>
      %dma_wait3A_363 = arith.constant 0 : i32
      %dma_wait3A_364 = tpu.memref_slice %arg3[%dma_wait3A_363] : memref<640000xi32, #tpu.memory_space<hbm>> -> memref<80xi32, #tpu.memory_space<hbm>>
      tpu.wait_dma2 semaphore(%arg25 : memref<!tpu.dma_semaphore, #tpu.memory_space<semaphore_mem>>) src(%dma_wait3A_364 : memref<80xi32, #tpu.memory_space<hbm>>) dst(%arg12 : memref<80xi32, #tpu.memory_space<vmem>>)
      %dma_start3A_365 = arith.constant 0 : i32
      %dma_start3A_366 = arith.constant 0 : i32
      %dma_start3A_367 = tpu.memref_slice %arg2[%dma_start3A_365, %dma_start3A_366] : memref<10000x128xf32, #tpu.memory_space<hbm>> -> memref<10000x128xf32, #tpu.memory_space<hbm>>
      tpu.enqueue_indirect_dma source(%dma_start3A_367 : memref<10000x128xf32, #tpu.memory_space<hbm>>) target(%arg16 : memref<80x128xf32, #tpu.memory_space<vmem>>) offsets(%arg8 : memref<80xi32, #tpu.memory_space<vmem>>) semaphore(%arg29 : memref<!tpu.dma_semaphore, #tpu.memory_space<semaphore_mem>>)
      %dma_wait3A_368 = arith.constant 0 : i32
      %dma_wait3A_369 = arith.constant 0 : i32
      %dma_wait3A_370 = tpu.memref_slice %arg2[%dma_wait3A_368, %dma_wait3A_369] : memref<10000x128xf32, #tpu.memory_space<hbm>> -> memref<10000x128xf32, #tpu.memory_space<hbm>>
      tpu.wait_indirect_dma semaphore(%arg28 : memref<!tpu.dma_semaphore, #tpu.memory_space<semaphore_mem>>) src(%dma_wait3A_370 : memref<10000x128xf32, #tpu.memory_space<hbm>>) dst(%arg15 : memref<80x128xf32, #tpu.memory_space<vmem>>)
      %dma_start3A_371 = arith.constant 0 : i32
      %dma_start3A_372 = arith.constant 0 : i32
      %dma_start3A_373 = tpu.memref_slice %arg21[%dma_start3A_371, %dma_start3A_372] : memref<10240x128xf32, #tpu.memory_space<vmem_shared>> -> memref<10240x128xf32, #tpu.memory_space<vmem_shared>>
      tpu.enqueue_indirect_dma source(%arg15 : memref<80x128xf32, #tpu.memory_space<vmem>>) target(%dma_start3A_373 : memref<10240x128xf32, #tpu.memory_space<vmem_shared>>) offsets(%arg11 : memref<80xi32, #tpu.memory_space<vmem>>) semaphore(%arg32 : memref<!tpu.dma_semaphore, #tpu.memory_space<semaphore_mem>>) {add = true}
      %dma_start3A_374 = arith.constant 0 : i32
      %dma_start3A_375 = tpu.memref_slice %arg22[%dma_start3A_374] : memref<10240xf32, #tpu.memory_space<vmem_shared>> -> memref<10240xf32, #tpu.memory_space<vmem_shared>>
      tpu.enqueue_indirect_dma source(%arg18 : memref<80xf32, #tpu.memory_space<vmem>>) target(%dma_start3A_375 : memref<10240xf32, #tpu.memory_space<vmem_shared>>) offsets(%arg11 : memref<80xi32, #tpu.memory_space<vmem>>) semaphore(%arg32 : memref<!tpu.dma_semaphore, #tpu.memory_space<semaphore_mem>>) {add = true}
    }
    %scan3A_149 = arith.constant 30 : i32
    %dma_wait3A_150 = arith.constant 0 : i32
    %dma_wait3A_151 = arith.constant 0 : i32
    %dma_wait3A_152 = tpu.memref_slice %arg21[%dma_wait3A_150, %dma_wait3A_151] : memref<10240x128xf32, #tpu.memory_space<vmem_shared>> -> memref<10240x128xf32, #tpu.memory_space<vmem_shared>>
    tpu.wait_indirect_dma semaphore(%arg31 : memref<!tpu.dma_semaphore, #tpu.memory_space<semaphore_mem>>) src(%arg14 : memref<80x128xf32, #tpu.memory_space<vmem>>) dst(%dma_wait3A_152 : memref<10240x128xf32, #tpu.memory_space<vmem_shared>>)
    %dma_wait3A_153 = arith.constant 0 : i32
    %dma_wait3A_154 = tpu.memref_slice %arg22[%dma_wait3A_153] : memref<10240xf32, #tpu.memory_space<vmem_shared>> -> memref<10240xf32, #tpu.memory_space<vmem_shared>>
    tpu.wait_indirect_dma semaphore(%arg31 : memref<!tpu.dma_semaphore, #tpu.memory_space<semaphore_mem>>) src(%arg18 : memref<80xf32, #tpu.memory_space<vmem>>) dst(%dma_wait3A_154 : memref<10240xf32, #tpu.memory_space<vmem_shared>>)
    %add3A_155 = arith.constant 9920 : i32
    %add3A_156 = arith.addi %mul3A_64, %add3A_155 : i32
    %dma_start3A_157 = tpu.memref_slice %arg3[%add3A_156] : memref<640000xi32, #tpu.memory_space<hbm>> -> memref<80xi32, #tpu.memory_space<hbm>>
    %dma_start3A_158 = tpu.memref_slice %arg3[%add3A_156] : memref<640000xi32, #tpu.memory_space<hbm>> -> memref<80xi32, #tpu.memory_space<hbm>>
    tpu.enqueue_dma source(%dma_start3A_158 : memref<80xi32, #tpu.memory_space<hbm>>) target(%arg6 : memref<80xi32, #tpu.memory_space<vmem>>) target_semaphore(%arg23 : memref<!tpu.dma_semaphore, #tpu.memory_space<semaphore_mem>>)
    %add3A_159 = arith.constant 320000 : i32
    %add3A_160 = arith.addi %add3A_159, %add3A_156 : i32
    %dma_start3A_161 = tpu.memref_slice %arg3[%add3A_160] : memref<640000xi32, #tpu.memory_space<hbm>> -> memref<80xi32, #tpu.memory_space<hbm>>
    %dma_start3A_162 = tpu.memref_slice %arg3[%add3A_160] : memref<640000xi32, #tpu.memory_space<hbm>> -> memref<80xi32, #tpu.memory_space<hbm>>
    tpu.enqueue_dma source(%dma_start3A_162 : memref<80xi32, #tpu.memory_space<hbm>>) target(%arg10 : memref<80xi32, #tpu.memory_space<vmem>>) target_semaphore(%arg23 : memref<!tpu.dma_semaphore, #tpu.memory_space<semaphore_mem>>)
    %dma_wait3A_163 = arith.constant 0 : i32
    %dma_wait3A_164 = tpu.memref_slice %arg3[%dma_wait3A_163] : memref<640000xi32, #tpu.memory_space<hbm>> -> memref<80xi32, #tpu.memory_space<hbm>>
    %dma_wait3A_165 = arith.constant 0 : i32
    %dma_wait3A_166 = tpu.memref_slice %arg3[%dma_wait3A_165] : memref<640000xi32, #tpu.memory_space<hbm>> -> memref<80xi32, #tpu.memory_space<hbm>>
    tpu.wait_dma2 semaphore(%arg26 : memref<!tpu.dma_semaphore, #tpu.memory_space<semaphore_mem>>) src(%dma_wait3A_166 : memref<80xi32, #tpu.memory_space<hbm>>) dst(%arg9 : memref<80xi32, #tpu.memory_space<vmem>>)
    %dma_wait3A_167 = arith.constant 0 : i32
    %dma_wait3A_168 = tpu.memref_slice %arg3[%dma_wait3A_167] : memref<640000xi32, #tpu.memory_space<hbm>> -> memref<80xi32, #tpu.memory_space<hbm>>
    %dma_wait3A_169 = arith.constant 0 : i32
    %dma_wait3A_170 = tpu.memref_slice %arg3[%dma_wait3A_169] : memref<640000xi32, #tpu.memory_space<hbm>> -> memref<80xi32, #tpu.memory_space<hbm>>
    tpu.wait_dma2 semaphore(%arg26 : memref<!tpu.dma_semaphore, #tpu.memory_space<semaphore_mem>>) src(%dma_wait3A_170 : memref<80xi32, #tpu.memory_space<hbm>>) dst(%arg13 : memref<80xi32, #tpu.memory_space<vmem>>)
    %dma_start3A_171 = arith.constant 0 : i32
    %dma_start3A_172 = arith.constant 0 : i32
    %dma_start3A_173 = tpu.memref_slice %arg2[%dma_start3A_171, %dma_start3A_172] : memref<10000x128xf32, #tpu.memory_space<hbm>> -> memref<10000x128xf32, #tpu.memory_space<hbm>>
    tpu.enqueue_indirect_dma source(%dma_start3A_173 : memref<10000x128xf32, #tpu.memory_space<hbm>>) target(%arg17 : memref<80x128xf32, #tpu.memory_space<vmem>>) offsets(%arg9 : memref<80xi32, #tpu.memory_space<vmem>>) semaphore(%arg30 : memref<!tpu.dma_semaphore, #tpu.memory_space<semaphore_mem>>)
    %dma_wait3A_174 = arith.constant 0 : i32
    %dma_wait3A_175 = arith.constant 0 : i32
    %dma_wait3A_176 = tpu.memref_slice %arg2[%dma_wait3A_174, %dma_wait3A_175] : memref<10000x128xf32, #tpu.memory_space<hbm>> -> memref<10000x128xf32, #tpu.memory_space<hbm>>
    tpu.wait_indirect_dma semaphore(%arg29 : memref<!tpu.dma_semaphore, #tpu.memory_space<semaphore_mem>>) src(%dma_wait3A_176 : memref<10000x128xf32, #tpu.memory_space<hbm>>) dst(%arg16 : memref<80x128xf32, #tpu.memory_space<vmem>>)
    %dma_start3A_177 = arith.constant 0 : i32
    %dma_start3A_178 = arith.constant 0 : i32
    %dma_start3A_179 = tpu.memref_slice %arg21[%dma_start3A_177, %dma_start3A_178] : memref<10240x128xf32, #tpu.memory_space<vmem_shared>> -> memref<10240x128xf32, #tpu.memory_space<vmem_shared>>
    tpu.enqueue_indirect_dma source(%arg16 : memref<80x128xf32, #tpu.memory_space<vmem>>) target(%dma_start3A_179 : memref<10240x128xf32, #tpu.memory_space<vmem_shared>>) offsets(%arg12 : memref<80xi32, #tpu.memory_space<vmem>>) semaphore(%arg33 : memref<!tpu.dma_semaphore, #tpu.memory_space<semaphore_mem>>) {add = true}
    %dma_start3A_180 = arith.constant 0 : i32
    %dma_start3A_181 = tpu.memref_slice %arg22[%dma_start3A_180] : memref<10240xf32, #tpu.memory_space<vmem_shared>> -> memref<10240xf32, #tpu.memory_space<vmem_shared>>
    tpu.enqueue_indirect_dma source(%arg18 : memref<80xf32, #tpu.memory_space<vmem>>) target(%dma_start3A_181 : memref<10240xf32, #tpu.memory_space<vmem_shared>>) offsets(%arg12 : memref<80xi32, #tpu.memory_space<vmem>>) semaphore(%arg33 : memref<!tpu.dma_semaphore, #tpu.memory_space<semaphore_mem>>) {add = true}
    %dma_wait3A_182 = arith.constant 0 : i32
    %dma_wait3A_183 = tpu.memref_slice %arg3[%dma_wait3A_182] : memref<640000xi32, #tpu.memory_space<hbm>> -> memref<80xi32, #tpu.memory_space<hbm>>
    %dma_wait3A_184 = arith.constant 0 : i32
    %dma_wait3A_185 = tpu.memref_slice %arg3[%dma_wait3A_184] : memref<640000xi32, #tpu.memory_space<hbm>> -> memref<80xi32, #tpu.memory_space<hbm>>
    tpu.wait_dma2 semaphore(%arg23 : memref<!tpu.dma_semaphore, #tpu.memory_space<semaphore_mem>>) src(%dma_wait3A_185 : memref<80xi32, #tpu.memory_space<hbm>>) dst(%arg6 : memref<80xi32, #tpu.memory_space<vmem>>)
    %dma_wait3A_186 = arith.constant 0 : i32
    %dma_wait3A_187 = tpu.memref_slice %arg3[%dma_wait3A_186] : memref<640000xi32, #tpu.memory_space<hbm>> -> memref<80xi32, #tpu.memory_space<hbm>>
    %dma_wait3A_188 = arith.constant 0 : i32
    %dma_wait3A_189 = tpu.memref_slice %arg3[%dma_wait3A_188] : memref<640000xi32, #tpu.memory_space<hbm>> -> memref<80xi32, #tpu.memory_space<hbm>>
    tpu.wait_dma2 semaphore(%arg23 : memref<!tpu.dma_semaphore, #tpu.memory_space<semaphore_mem>>) src(%dma_wait3A_189 : memref<80xi32, #tpu.memory_space<hbm>>) dst(%arg10 : memref<80xi32, #tpu.memory_space<vmem>>)
    %dma_start3A_190 = arith.constant 0 : i32
    %dma_start3A_191 = arith.constant 0 : i32
    %dma_start3A_192 = tpu.memref_slice %arg2[%dma_start3A_190, %dma_start3A_191] : memref<10000x128xf32, #tpu.memory_space<hbm>> -> memref<10000x128xf32, #tpu.memory_space<hbm>>
    tpu.enqueue_indirect_dma source(%dma_start3A_192 : memref<10000x128xf32, #tpu.memory_space<hbm>>) target(%arg14 : memref<80x128xf32, #tpu.memory_space<vmem>>) offsets(%arg6 : memref<80xi32, #tpu.memory_space<vmem>>) semaphore(%arg27 : memref<!tpu.dma_semaphore, #tpu.memory_space<semaphore_mem>>)
    %dma_wait3A_193 = arith.constant 0 : i32
    %dma_wait3A_194 = arith.constant 0 : i32
    %dma_wait3A_195 = tpu.memref_slice %arg2[%dma_wait3A_193, %dma_wait3A_194] : memref<10000x128xf32, #tpu.memory_space<hbm>> -> memref<10000x128xf32, #tpu.memory_space<hbm>>
    tpu.wait_indirect_dma semaphore(%arg30 : memref<!tpu.dma_semaphore, #tpu.memory_space<semaphore_mem>>) src(%dma_wait3A_195 : memref<10000x128xf32, #tpu.memory_space<hbm>>) dst(%arg17 : memref<80x128xf32, #tpu.memory_space<vmem>>)
    %dma_start3A_196 = arith.constant 0 : i32
    %dma_start3A_197 = arith.constant 0 : i32
    %dma_start3A_198 = tpu.memref_slice %arg21[%dma_start3A_196, %dma_start3A_197] : memref<10240x128xf32, #tpu.memory_space<vmem_shared>> -> memref<10240x128xf32, #tpu.memory_space<vmem_shared>>
    tpu.enqueue_indirect_dma source(%arg17 : memref<80x128xf32, #tpu.memory_space<vmem>>) target(%dma_start3A_198 : memref<10240x128xf32, #tpu.memory_space<vmem_shared>>) offsets(%arg13 : memref<80xi32, #tpu.memory_space<vmem>>) semaphore(%arg34 : memref<!tpu.dma_semaphore, #tpu.memory_space<semaphore_mem>>) {add = true}
    %dma_start3A_199 = arith.constant 0 : i32
    %dma_start3A_200 = tpu.memref_slice %arg22[%dma_start3A_199] : memref<10240xf32, #tpu.memory_space<vmem_shared>> -> memref<10240xf32, #tpu.memory_space<vmem_shared>>
    tpu.enqueue_indirect_dma source(%arg18 : memref<80xf32, #tpu.memory_space<vmem>>) target(%dma_start3A_200 : memref<10240xf32, #tpu.memory_space<vmem_shared>>) offsets(%arg13 : memref<80xi32, #tpu.memory_space<vmem>>) semaphore(%arg34 : memref<!tpu.dma_semaphore, #tpu.memory_space<semaphore_mem>>) {add = true}
    %dma_wait3A_201 = arith.constant 0 : i32
    %dma_wait3A_202 = arith.constant 0 : i32
    %dma_wait3A_203 = tpu.memref_slice %arg2[%dma_wait3A_201, %dma_wait3A_202] : memref<10000x128xf32, #tpu.memory_space<hbm>> -> memref<10000x128xf32, #tpu.memory_space<hbm>>
    tpu.wait_indirect_dma semaphore(%arg27 : memref<!tpu.dma_semaphore, #tpu.memory_space<semaphore_mem>>) src(%dma_wait3A_203 : memref<10000x128xf32, #tpu.memory_space<hbm>>) dst(%arg14 : memref<80x128xf32, #tpu.memory_space<vmem>>)
    %dma_start3A_204 = arith.constant 0 : i32
    %dma_start3A_205 = arith.constant 0 : i32
    %dma_start3A_206 = tpu.memref_slice %arg21[%dma_start3A_204, %dma_start3A_205] : memref<10240x128xf32, #tpu.memory_space<vmem_shared>> -> memref<10240x128xf32, #tpu.memory_space<vmem_shared>>
    tpu.enqueue_indirect_dma source(%arg14 : memref<80x128xf32, #tpu.memory_space<vmem>>) target(%dma_start3A_206 : memref<10240x128xf32, #tpu.memory_space<vmem_shared>>) offsets(%arg10 : memref<80xi32, #tpu.memory_space<vmem>>) semaphore(%arg31 : memref<!tpu.dma_semaphore, #tpu.memory_space<semaphore_mem>>) {add = true}
    %dma_start3A_207 = arith.constant 0 : i32
    %dma_start3A_208 = tpu.memref_slice %arg22[%dma_start3A_207] : memref<10240xf32, #tpu.memory_space<vmem_shared>> -> memref<10240xf32, #tpu.memory_space<vmem_shared>>
    tpu.enqueue_indirect_dma source(%arg18 : memref<80xf32, #tpu.memory_space<vmem>>) target(%dma_start3A_208 : memref<10240xf32, #tpu.memory_space<vmem_shared>>) offsets(%arg10 : memref<80xi32, #tpu.memory_space<vmem>>) semaphore(%arg31 : memref<!tpu.dma_semaphore, #tpu.memory_space<semaphore_mem>>) {add = true}
    %dma_wait3A_209 = arith.constant 0 : i32
    %dma_wait3A_210 = arith.constant 0 : i32
    %dma_wait3A_211 = tpu.memref_slice %arg21[%dma_wait3A_209, %dma_wait3A_210] : memref<10240x128xf32, #tpu.memory_space<vmem_shared>> -> memref<10240x128xf32, #tpu.memory_space<vmem_shared>>
    tpu.wait_indirect_dma semaphore(%arg31 : memref<!tpu.dma_semaphore, #tpu.memory_space<semaphore_mem>>) src(%arg14 : memref<80x128xf32, #tpu.memory_space<vmem>>) dst(%dma_wait3A_211 : memref<10240x128xf32, #tpu.memory_space<vmem_shared>>)
    %dma_wait3A_212 = arith.constant 0 : i32
    %dma_wait3A_213 = tpu.memref_slice %arg22[%dma_wait3A_212] : memref<10240xf32, #tpu.memory_space<vmem_shared>> -> memref<10240xf32, #tpu.memory_space<vmem_shared>>
    tpu.wait_indirect_dma semaphore(%arg31 : memref<!tpu.dma_semaphore, #tpu.memory_space<semaphore_mem>>) src(%arg18 : memref<80xf32, #tpu.memory_space<vmem>>) dst(%dma_wait3A_213 : memref<10240xf32, #tpu.memory_space<vmem_shared>>)
    %dma_wait3A_214 = arith.constant 0 : i32
    %dma_wait3A_215 = arith.constant 0 : i32
    %dma_wait3A_216 = tpu.memref_slice %arg21[%dma_wait3A_214, %dma_wait3A_215] : memref<10240x128xf32, #tpu.memory_space<vmem_shared>> -> memref<10240x128xf32, #tpu.memory_space<vmem_shared>>
    tpu.wait_indirect_dma semaphore(%arg32 : memref<!tpu.dma_semaphore, #tpu.memory_space<semaphore_mem>>) src(%arg15 : memref<80x128xf32, #tpu.memory_space<vmem>>) dst(%dma_wait3A_216 : memref<10240x128xf32, #tpu.memory_space<vmem_shared>>)
    %dma_wait3A_217 = arith.constant 0 : i32
    %dma_wait3A_218 = tpu.memref_slice %arg22[%dma_wait3A_217] : memref<10240xf32, #tpu.memory_space<vmem_shared>> -> memref<10240xf32, #tpu.memory_space<vmem_shared>>
    tpu.wait_indirect_dma semaphore(%arg32 : memref<!tpu.dma_semaphore, #tpu.memory_space<semaphore_mem>>) src(%arg18 : memref<80xf32, #tpu.memory_space<vmem>>) dst(%dma_wait3A_218 : memref<10240xf32, #tpu.memory_space<vmem_shared>>)
    %dma_wait3A_219 = arith.constant 0 : i32
    %dma_wait3A_220 = arith.constant 0 : i32
    %dma_wait3A_221 = tpu.memref_slice %arg21[%dma_wait3A_219, %dma_wait3A_220] : memref<10240x128xf32, #tpu.memory_space<vmem_shared>> -> memref<10240x128xf32, #tpu.memory_space<vmem_shared>>
    tpu.wait_indirect_dma semaphore(%arg33 : memref<!tpu.dma_semaphore, #tpu.memory_space<semaphore_mem>>) src(%arg16 : memref<80x128xf32, #tpu.memory_space<vmem>>) dst(%dma_wait3A_221 : memref<10240x128xf32, #tpu.memory_space<vmem_shared>>)
    %dma_wait3A_222 = arith.constant 0 : i32
    %dma_wait3A_223 = tpu.memref_slice %arg22[%dma_wait3A_222] : memref<10240xf32, #tpu.memory_space<vmem_shared>> -> memref<10240xf32, #tpu.memory_space<vmem_shared>>
    tpu.wait_indirect_dma semaphore(%arg33 : memref<!tpu.dma_semaphore, #tpu.memory_space<semaphore_mem>>) src(%arg18 : memref<80xf32, #tpu.memory_space<vmem>>) dst(%dma_wait3A_223 : memref<10240xf32, #tpu.memory_space<vmem_shared>>)
    %dma_wait3A_224 = arith.constant 0 : i32
    %dma_wait3A_225 = arith.constant 0 : i32
    %dma_wait3A_226 = tpu.memref_slice %arg21[%dma_wait3A_224, %dma_wait3A_225] : memref<10240x128xf32, #tpu.memory_space<vmem_shared>> -> memref<10240x128xf32, #tpu.memory_space<vmem_shared>>
    tpu.wait_indirect_dma semaphore(%arg34 : memref<!tpu.dma_semaphore, #tpu.memory_space<semaphore_mem>>) src(%arg17 : memref<80x128xf32, #tpu.memory_space<vmem>>) dst(%dma_wait3A_226 : memref<10240x128xf32, #tpu.memory_space<vmem_shared>>)
    %dma_wait3A_227 = arith.constant 0 : i32
    %dma_wait3A_228 = tpu.memref_slice %arg22[%dma_wait3A_227] : memref<10240xf32, #tpu.memory_space<vmem_shared>> -> memref<10240xf32, #tpu.memory_space<vmem_shared>>
    tpu.wait_indirect_dma semaphore(%arg34 : memref<!tpu.dma_semaphore, #tpu.memory_space<semaphore_mem>>) src(%arg18 : memref<80xf32, #tpu.memory_space<vmem>>) dst(%dma_wait3A_228 : memref<10240xf32, #tpu.memory_space<vmem_shared>>)
    %barrier3A_229 = arith.constant 0 : index
    tpu.barrier barrier_id(%barrier3A_229)
    %mul3A_230 = arith.constant 10240 : i32
    %mul3A_231 = arith.muli %arg0, %mul3A_230 : i32
    %add3A_232 = arith.addi %mul3A_231, %mul3A_22 : i32
    "tpu.region"() ({
      %run_scoped3A = tpu.sem_alloc : memref<!tpu.dma_semaphore, #tpu.memory_space<semaphore_mem>>
      %dma_start3A_233 = arith.constant 0 : i32
      %dma_start3A_234 = tpu.memref_slice %arg4[%add3A_232, %dma_start3A_233] : memref<20480x128xf32, #tpu.memory_space<hbm>> -> memref<640x128xf32, #tpu.memory_space<hbm>>
      %dma_start3A_235 = arith.constant 0 : i32
      %dma_start3A_236 = tpu.memref_slice %arg21[%mul3A_22, %dma_start3A_235] : memref<10240x128xf32, #tpu.memory_space<vmem_shared>> -> memref<640x128xf32, #tpu.memory_space<vmem_shared>>
      tpu.enqueue_dma source(%dma_start3A_236 : memref<640x128xf32, #tpu.memory_space<vmem_shared>>) target(%dma_start3A_234 : memref<640x128xf32, #tpu.memory_space<hbm>>) target_semaphore(%run_scoped3A : memref<!tpu.dma_semaphore, #tpu.memory_space<semaphore_mem>>)
      %dma_wait3A_237 = arith.constant 0 : i32
      %dma_wait3A_238 = tpu.memref_slice %arg4[%add3A_232, %dma_wait3A_237] : memref<20480x128xf32, #tpu.memory_space<hbm>> -> memref<640x128xf32, #tpu.memory_space<hbm>>
      %dma_wait3A_239 = arith.constant 0 : i32
      %dma_wait3A_240 = tpu.memref_slice %arg21[%mul3A_22, %dma_wait3A_239] : memref<10240x128xf32, #tpu.memory_space<vmem_shared>> -> memref<640x128xf32, #tpu.memory_space<vmem_shared>>
      tpu.wait_dma2 semaphore(%run_scoped3A : memref<!tpu.dma_semaphore, #tpu.memory_space<semaphore_mem>>) src(%dma_wait3A_240 : memref<640x128xf32, #tpu.memory_space<vmem_shared>>) dst(%dma_wait3A_238 : memref<640x128xf32, #tpu.memory_space<hbm>>)
      tpu.yield
    }) : () -> ()
    "tpu.region"() ({
      %run_scoped3A = tpu.sem_alloc : memref<!tpu.dma_semaphore, #tpu.memory_space<semaphore_mem>>
      %dma_start3A_233 = tpu.memref_slice %arg5[%add3A_232] : memref<20480xf32, #tpu.memory_space<hbm>> -> memref<640xf32, #tpu.memory_space<hbm>>
      %dma_start3A_234 = tpu.memref_slice %arg22[%mul3A_22] : memref<10240xf32, #tpu.memory_space<vmem_shared>> -> memref<640xf32, #tpu.memory_space<vmem_shared>>
      tpu.enqueue_dma source(%dma_start3A_234 : memref<640xf32, #tpu.memory_space<vmem_shared>>) target(%dma_start3A_233 : memref<640xf32, #tpu.memory_space<hbm>>) target_semaphore(%run_scoped3A : memref<!tpu.dma_semaphore, #tpu.memory_space<semaphore_mem>>)
      %dma_wait3A_235 = tpu.memref_slice %arg5[%add3A_232] : memref<20480xf32, #tpu.memory_space<hbm>> -> memref<640xf32, #tpu.memory_space<hbm>>
      %dma_wait3A_236 = tpu.memref_slice %arg22[%mul3A_22] : memref<10240xf32, #tpu.memory_space<vmem_shared>> -> memref<640xf32, #tpu.memory_space<vmem_shared>>
      tpu.wait_dma2 semaphore(%run_scoped3A : memref<!tpu.dma_semaphore, #tpu.memory_space<semaphore_mem>>) src(%dma_wait3A_236 : memref<640xf32, #tpu.memory_space<vmem_shared>>) dst(%dma_wait3A_235 : memref<640xf32, #tpu.memory_space<hbm>>)
      tpu.yield
    }) : () -> ()
    return
  }
}

module attributes {stable_mosaic.version = 14 : i64} {
  func.func @body(%arg0: i32, %arg1: memref<1024x128xf32, #tpu.memory_space<vmem>>, %arg2: memref<1x1024x128xf32, #tpu.memory_space<vmem>>, %arg3: memref<1x1024x128xf32, #tpu.memory_space<vmem>>, %arg4: memref<1x1024x1xf32, #tpu.memory_space<vmem>>, %arg5: memref<1x1024x1xf32, #tpu.memory_space<vmem>>, %arg6: memref<128x128xf32, #tpu.memory_space<vmem>>, %arg7: memref<128x128xf32, #tpu.memory_space<vmem>>, %arg8: memref<1x128xf32, #tpu.memory_space<vmem>>, %arg9: memref<1024x128xf32, #tpu.memory_space<vmem>>) attributes {dimension_semantics = [#tpu.dimension_semantics<arbitrary>], iteration_bounds = array<i64: 10>, scalar_prefetch = 0 : i64, scratch_operands = 0 : i64, tpu.core_type = #tpu.core_type<tc>, window_params = [{transform_indices = @transform_0, window_bounds = array<i64: 1024, 128>}, {transform_indices = @transform_1, window_bounds = array<i64: 1, 1024, 128>}, {transform_indices = @transform_2, window_bounds = array<i64: 1, 1024, 128>}, {transform_indices = @transform_3, window_bounds = array<i64: 1, 1024, 1>}, {transform_indices = @transform_4, window_bounds = array<i64: 1, 1024, 1>}, {pipeline_mode = #tpu.pipeline_mode<synchronous>, transform_indices = @transform_5, window_bounds = array<i64: 128, 128>}, {pipeline_mode = #tpu.pipeline_mode<synchronous>, transform_indices = @transform_6, window_bounds = array<i64: 128, 128>}, {pipeline_mode = #tpu.pipeline_mode<synchronous>, transform_indices = @transform_7, window_bounds = array<i64: 1, 128>}, {transform_indices = @transform_8, window_bounds = array<i64: 1024, 128>}]} {
    %get3A = arith.constant 0 : index
    %get3A_0 = arith.constant 0 : index
    %get3A_1 = arith.constant 0 : index
    %get3A_2 = vector.load %arg2[%get3A, %get3A_0, %get3A_1] : memref<1x1024x128xf32, #tpu.memory_space<vmem>>, vector<1x1024x128xf32>
    %get3A_3 = vector.shape_cast %get3A_2 : vector<1x1024x128xf32> to vector<1024x128xf32>
    %get3A_4 = arith.constant 0 : index
    %get3A_5 = arith.constant 0 : index
    %get3A_6 = arith.constant 0 : index
    %get3A_7 = vector.load %arg3[%get3A_4, %get3A_5, %get3A_6] : memref<1x1024x128xf32, #tpu.memory_space<vmem>>, vector<1x1024x128xf32>
    %get3A_8 = vector.shape_cast %get3A_7 : vector<1x1024x128xf32> to vector<1024x128xf32>
    %add3A = arith.addf %get3A_3, %get3A_8 : vector<1024x128xf32>
    %get3A_9 = arith.constant 0 : index
    %get3A_10 = arith.constant 0 : index
    %get3A_11 = arith.constant 0 : index
    %get3A_12 = vector.load %arg4[%get3A_9, %get3A_10, %get3A_11] : memref<1x1024x1xf32, #tpu.memory_space<vmem>>, vector<1x1024x1xf32>
    %get3A_13 = vector.shape_cast %get3A_12 : vector<1x1024x1xf32> to vector<1024x1xf32>
    %get3A_14 = arith.constant 0 : index
    %get3A_15 = arith.constant 0 : index
    %get3A_16 = arith.constant 0 : index
    %get3A_17 = vector.load %arg5[%get3A_14, %get3A_15, %get3A_16] : memref<1x1024x1xf32, #tpu.memory_space<vmem>>, vector<1x1024x1xf32>
    %get3A_18 = vector.shape_cast %get3A_17 : vector<1x1024x1xf32> to vector<1024x1xf32>
    %add3A_19 = arith.addf %get3A_13, %get3A_18 : vector<1024x1xf32>
    %max3A = arith.constant 1.000000e+00 : f32
    %max3A_20 = vector.broadcast %max3A : f32 to vector<1024x1xf32>
    %max3A_21 = arith.maximumf %add3A_19, %max3A_20 : vector<1024x1xf32>
    %div3A = vector.broadcast %max3A_21 : vector<1024x1xf32> to vector<1024x128xf32>
    %div3A_22 = arith.divf %add3A, %div3A : vector<1024x128xf32>
    %get3A_23 = arith.constant 0 : index
    %get3A_24 = arith.constant 0 : index
    %get3A_25 = vector.load %arg6[%get3A_23, %get3A_24] : memref<128x128xf32, #tpu.memory_space<vmem>>, vector<128x128xf32>
    %dot_general3A = arith.constant dense<0.000000e+00> : vector<1024x128xf32>
    %dot_general3A_26 = tpu.matmul %div3A_22, %get3A_25, %dot_general3A {dimension_numbers = #tpu.dot_dimension_numbers<[1], [1], [0], [0], [0, 0, 1, 0], [], []>, transpose_lhs_hint = false} : vector<1024x128xf32>, vector<128x128xf32>, vector<1024x128xf32> -> vector<1024x128xf32>
    %get3A_27 = arith.constant 0 : index
    %get3A_28 = arith.constant 0 : index
    %get3A_29 = vector.load %arg1[%get3A_27, %get3A_28] : memref<1024x128xf32, #tpu.memory_space<vmem>>, vector<1024x128xf32>
    %get3A_30 = arith.constant 0 : index
    %get3A_31 = arith.constant 0 : index
    %get3A_32 = vector.load %arg7[%get3A_30, %get3A_31] : memref<128x128xf32, #tpu.memory_space<vmem>>, vector<128x128xf32>
    %dot_general3A_33 = arith.constant dense<0.000000e+00> : vector<1024x128xf32>
    %dot_general3A_34 = tpu.matmul %get3A_29, %get3A_32, %dot_general3A_33 {dimension_numbers = #tpu.dot_dimension_numbers<[1], [1], [0], [0], [0, 0, 1, 0], [], []>, transpose_lhs_hint = false} : vector<1024x128xf32>, vector<128x128xf32>, vector<1024x128xf32> -> vector<1024x128xf32>
    %add3A_35 = arith.addf %dot_general3A_26, %dot_general3A_34 : vector<1024x128xf32>
    %get3A_36 = arith.constant 0 : index
    %get3A_37 = arith.constant 0 : index
    %get3A_38 = vector.load %arg8[%get3A_36, %get3A_37] : memref<1x128xf32, #tpu.memory_space<vmem>>, vector<1x128xf32>
    %add3A_39 = vector.broadcast %get3A_38 : vector<1x128xf32> to vector<1024x128xf32>
    %add3A_40 = arith.addf %add3A_35, %add3A_39 : vector<1024x128xf32>
    %max3A_41 = arith.constant 0.000000e+00 : f32
    %max3A_42 = vector.broadcast %max3A_41 : f32 to vector<1024x128xf32>
    %max3A_43 = arith.maximumf %add3A_40, %max3A_42 : vector<1024x128xf32>
    %swap3A = arith.constant 0 : index
    %swap3A_44 = arith.constant 0 : index
    %swap3A_45 = vector.load %arg9[%swap3A, %swap3A_44] : memref<1024x128xf32, #tpu.memory_space<vmem>>, vector<1024x128xf32>
    tpu.vector_store %arg9[%swap3A, %swap3A_44], %max3A_43 {strides = array<i32>} : memref<1024x128xf32, #tpu.memory_space<vmem>>, vector<1024x128xf32>,
    return
  }
  func.func @transform_0(%arg0: i32) -> (i32, i32) {
    %c0_i32 = arith.constant 0 : i32
    %c0_i32_0 = arith.constant 0 : i32
    return %arg0, %c0_i32 : i32, i32
  }
  func.func @transform_1(%arg0: i32) -> (i32, i32, i32) {
    %c0_i32 = arith.constant 0 : i32
    %c0_i32_0 = arith.constant 0 : i32
    %c0_i32_1 = arith.constant 0 : i32
    return %c0_i32, %arg0, %c0_i32_0 : i32, i32, i32
  }
  func.func @transform_2(%arg0: i32) -> (i32, i32, i32) {
    %c1_i32 = arith.constant 1 : i32
    %c0_i32 = arith.constant 0 : i32
    %c0_i32_0 = arith.constant 0 : i32
    return %c1_i32, %arg0, %c0_i32 : i32, i32, i32
  }
  func.func @transform_3(%arg0: i32) -> (i32, i32, i32) {
    %c0_i32 = arith.constant 0 : i32
    %c0_i32_0 = arith.constant 0 : i32
    %c0_i32_1 = arith.constant 0 : i32
    return %c0_i32, %arg0, %c0_i32_0 : i32, i32, i32
  }
  func.func @transform_4(%arg0: i32) -> (i32, i32, i32) {
    %c1_i32 = arith.constant 1 : i32
    %c0_i32 = arith.constant 0 : i32
    %c0_i32_0 = arith.constant 0 : i32
    return %c1_i32, %arg0, %c0_i32 : i32, i32, i32
  }
  func.func @transform_5(%arg0: i32) -> (i32, i32) {
    %c0_i32 = arith.constant 0 : i32
    %c0_i32_0 = arith.constant 0 : i32
    %c0_i32_1 = arith.constant 0 : i32
    return %c0_i32, %c0_i32_0 : i32, i32
  }
  func.func @transform_6(%arg0: i32) -> (i32, i32) {
    %c0_i32 = arith.constant 0 : i32
    %c0_i32_0 = arith.constant 0 : i32
    %c0_i32_1 = arith.constant 0 : i32
    return %c0_i32, %c0_i32_0 : i32, i32
  }
  func.func @transform_7(%arg0: i32) -> (i32, i32) {
    %c0_i32 = arith.constant 0 : i32
    %c0_i32_0 = arith.constant 0 : i32
    %c0_i32_1 = arith.constant 0 : i32
    return %c0_i32, %c0_i32_0 : i32, i32
  }
  func.func @transform_8(%arg0: i32) -> (i32, i32) {
    %c0_i32 = arith.constant 0 : i32
    %c0_i32_0 = arith.constant 0 : i32
    return %arg0, %c0_i32 : i32, i32
  }
}

</mosaic_0001>

<sc_bundles>
// kernel: kernel.4.cloned.1.call-start
scs
__scs_entry_jumppad:
0x0: {  	(pc) =	sbr.rel $0x88, $3  }
0x1: {  	(tag) =	ssettag $0x0;
	lr =	simm.s32 $0x1  }
0x2: {  	[smem:$0x3F9B] =	sst lr;
	_ =	strace $0xD0000000  }
0x3: {  	_ = 	snop  }
0x4: {  	_ = 	snop  }
0x5: {  	_ = 	snop  }
0x6: {  	_ = 	snop  }
0x7: {  	_ = 	snop  }
__scs_overlays_trampoline_lowered:
0x8: {  	[smem:$0x3FAA] =	sst s0  }
0x9: {  	[smem:$0x3FAB] =	sst s1  }
0xa: {  	[smem:$0x3FAC] =	sst s2  }
0xb: {  	[smem:$0x3FAD] =	sst s3  }
0xc: {  	[smem:$0x3FAE] =	sst s4  }
0xd: {  	[smem:$0x3FAF] =	sst s5  }
0xe: {  	[smem:$0x3FB0] =	sst s6  }
0xf: {  	[smem:$0x3FB1] =	sst s7  }
0x10: {  	[smem:$0x3FB2] =	sst s8  }
0x11: {  	[smem:$0x3FB3] =	sst s9;
	s0 =	simm.s32 @!p0 $0x0  }
0x12: {  	s1 =	sld [smem:$0x3F99];
	s0 =	simm.s32 @p0 $0x1  }
0x13: {  	[smem:$0x3FB4] =	sst s0;
	s0 =	simm.s32 @!p1 $0x0  }
0x14: {  	s2 =	sld [smem:$0x3F98];
	s0 =	simm.s32 @p1 $0x1  }
0x15: {  	[smem:$0x3FB5] =	sst s0;
	s0 =	simm.s32 @!p2 $0x0  }
0x16: {  	s3 =	sld [smem:$0x3FDB];
	s0 =	simm.s32 @p2 $0x1  }
0x17: {  	s4 =	simm.s32 $0x1BF5;
	[smem:$0x3FB7] =	sst s0  }
0x18: {  	s0 =	sld [smem:$0x3F9A];
	_ =	swait.ge [sflag:s4], $0x0  }
0x19: {  	s7 =	sld [smem:$0x3F9B]  }
0x1a: {  	s8 =	sadd.s32 $0xFFFFE003, lr  }
0x1b: {  	s9 =	sadd.s32 $0xFFFFFEF7, lr;
	s5 =	simm.s32 $0xFFFFFFFF;
	p2 =	slt.u32 s8, $0xFFFFF086  }
0x1c: {  	p1 =	slt.u32 s9, $0xF7A;
	s5 =	simm.s32 @!p2 $0x0  }
0x1d: {  	s5 =	simm.s32 @p1 $0x1;
	p0 =	seq.s32 s7, s2  }
0x1e: {  	s7 =	smul.u32 @!p0 $0xF7A, s2;
	p2 =	seq.s32 @!p0 s5, $0x0  }
0x1f: {  	s9 =	smul.u32 $0xF7A, s1;
	s8 =	simm.s32 @!p0 $0x1BF5;
	p2 =	por !p2, p0  }
0x20: {  	[sflag:s8] =	ssyncset.s32 @!p0 $0xFFFFF086;
	s6 =	sadd.s32 @!p0 s3, s7;
	s7 =	simm.s32 @!p0 $0x108  }
0x21: {  	s3 =	sadd.s32 s3, s9;
	s6 =	sadd.s32 @!p0 $0x88, s6;
	s7 =	simm.s32 @p2 $0x1082  }
0x22: {  	[simem:s7], [sflag:s8] =	dma.local @!p0 [hbm:s6], $0xF7A  }
0x23: {  	s9 =	sor.u32 $0xD0000000, s2;
	s6 =	simm.s32 $0x108;
	_ =	swait.ge @!p0 [sflag:s8], $0x0  }
0x24: {  	s3 =	sadd.s32 $0x88, s3;
	s6 =	simm.s32 @!p1 $0x1082;
	[sflag:s4] =	ssyncset.s32 $0xFFFFF086  }
0x25: {  	[simem:s6], [sflag:s4] =	dma.local [hbm:s3], $0xF7A  }
0x26: {  	[smem:$0x3F9B] =	sst s1;
	(tag) =	ssettag s2;
	_ =	strace s9  }
0x27: {  	s1 =	sld [smem:$0x3FAB]  }
0x28: {  	s2 =	sld [smem:$0x3FAC]  }
0x29: {  	s4 =	sld [smem:$0x3FAE]  }
0x2a: {  	p0 =	seq.s32 s5, $0x0;
	s5 =	sld [smem:$0x3FAF]  }
0x2b: {  	s6 =	sld [smem:$0x3FB0]  }
0x2c: {  	s7 =	sld [smem:$0x3FB1]  }
0x2d: {  	s3 =	simm.s32 $0x108;
	s8 =	sld [smem:$0x3FB2]  }
0x2e: {  	s3 =	simm.s32 @!p0 $0x1082;
	s9 =	sld [smem:$0x3FB3]  }
0x2f: {  	lr =	sadd.s32 s0, s3;
	s0 =	sld [smem:$0x3FAA]  }
0x30: {  	s3 =	sld [smem:$0x3FAD]  }
0x31: {  	[smem:$0x3FB6] =	sst s10  }
0x32: {  	s10 =	sld [smem:$0x3FB4];
	_ =	sdelay $0x3  }
0x33: {  	p0 =	seq.s32 s10, $0x1;
	s10 =	sld [smem:$0x3FB6];
	_ =	sdelay $0x3  }
0x34: {  	[smem:$0x3FB6] =	sst s10  }
0x35: {  	s10 =	sld [smem:$0x3FB5];
	_ =	sdelay $0x3  }
0x36: {  	p1 =	seq.s32 s10, $0x1;
	s10 =	sld [smem:$0x3FB6];
	_ =	sdelay $0x3  }
0x37: {  	[smem:$0x3FB6] =	sst s10  }
0x38: {  	s10 =	sld [smem:$0x3FB7]  }
0x39: {  	_ = 	snop;
	(pc) =	sbr.ind lr, $3  }
0x3a: {  	_ = 	snop  }
0x3b: {  	_ = 	snop  }
0x3c: {  	p2 =	seq.s32 s10, $0x1;
	s10 =	sld [smem:$0x3FB6]  }
0x3d: {  	_ =	shalt  }
0x3e: {  	_ =	shalt  }
0x3f: {  	_ =	shalt  }
0x40: {  	_ =	shalt  }
0x41: {  	_ =	shalt  }
0x42: {  	_ =	shalt  }
0x43: {  	_ =	shalt  }
0x44: {  	_ =	shalt  }
0x45: {  	_ =	shalt  }
0x46: {  	_ =	shalt  }
0x47: {  	_ =	shalt  }
0x48: {  	_ =	shalt  }
0x49: {  	_ =	shalt  }
0x4a: {  	_ =	shalt  }
0x4b: {  	_ =	shalt  }
0x4c: {  	_ =	shalt  }
0x4d: {  	_ =	shalt  }
0x4e: {  	_ =	shalt  }
0x4f: {  	_ =	shalt  }
0x50: {  	_ =	shalt  }
0x51: {  	_ =	shalt  }
0x52: {  	_ =	shalt  }
0x53: {  	_ =	shalt  }
0x54: {  	_ =	shalt  }
0x55: {  	_ =	shalt  }
0x56: {  	_ =	shalt  }
0x57: {  	_ =	shalt  }
0x58: {  	_ =	shalt  }
0x59: {  	_ =	shalt  }
0x5a: {  	_ =	shalt  }
0x5b: {  	_ =	shalt  }
0x5c: {  	_ =	shalt  }
0x5d: {  	_ =	shalt  }
0x5e: {  	_ =	shalt  }
0x5f: {  	_ =	shalt  }
0x60: {  	_ =	shalt  }
0x61: {  	_ =	shalt  }
0x62: {  	_ =	shalt  }
0x63: {  	_ =	shalt  }
0x64: {  	_ =	shalt  }
0x65: {  	_ =	shalt  }
0x66: {  	_ =	shalt  }
0x67: {  	_ =	shalt  }
0x68: {  	_ =	shalt  }
0x69: {  	_ =	shalt  }
0x6a: {  	_ =	shalt  }
0x6b: {  	_ =	shalt  }
0x6c: {  	_ =	shalt  }
0x6d: {  	_ =	shalt  }
0x6e: {  	_ =	shalt  }
0x6f: {  	_ =	shalt  }
0x70: {  	_ =	shalt  }
0x71: {  	_ =	shalt  }
0x72: {  	_ =	shalt  }
0x73: {  	_ =	shalt  }
0x74: {  	_ =	shalt  }
0x75: {  	_ =	shalt  }
0x76: {  	_ =	shalt  }
0x77: {  	_ =	shalt  }
0x78: {  	_ =	shalt  }
0x79: {  	_ =	shalt  }
0x7a: {  	_ =	shalt  }
0x7b: {  	_ =	shalt  }
0x7c: {  	_ =	shalt  }
0x7d: {  	_ =	shalt  }
0x7e: {  	_ =	shalt  }
0x7f: {  	_ =	shalt  }
0x80: {  	_ =	shalt  }
0x81: {  	_ =	shalt  }
0x82: {  	_ =	shalt  }
0x83: {  	_ =	shalt  }
0x84: {  	_ =	shalt  }
0x85: {  	_ =	shalt  }
0x86: {  	_ =	shalt  }
0x87: {  	_ =	shalt  }
.Lfunc_end0:
.L_simem_size_0:
called_computation_lowered:
.L_overlay_start_0:
0x88: {  	s2 =	sld [smem:$0x3FD9]  }
0x89: {  	s3 =	sld [smem:$0x3FFE];
	_ =	sdelay $0x1  }
0x8a: {  	s1 =	srdreg.scid  }
0x8b: {  	s0 =	sand.u32 $0x1, s1  }
0x8c: {  	s17 =	sshll.u32 s0, $0xA;
	s2 =	sadd.s32 s3, s2  }
0x8d: {  	s2 =	sadd.s32 s2, s17  }
0x8e: {  	[smem:$0x3FC2] =	sst s2  }
0x8f: {  	_ = 	snop  }
0x90: {  	s2 =	sld [smem:$0x3FC9]  }
0x91: {  	s18 =	sld [smem:$0x3FD0];
	(tm) =	ssettm $0x1  }
0x92: {  	s4 =	sld [smem:$0x3FFB];
	_ =	sdelay $0x3  }
0x93: {  	_ =	strace s4  }
0x94: {  	s4 =	sld [smem:$0x3FFC];
	_ =	sdelay $0x3  }
0x95: {  	_ =	strace s4  }
0x96: {  	s4 =	sld [smem:$0x3FFD];
	_ =	sdelay $0x3  }
0x97: {  	_ =	strace s4  }
0x98: {  	_ =	strace $0x8FFFFFFF  }
0x99: {  	s19 =	sld [smem:$0x3FDB];
	_ =	sdelay $0x1  }
0x9a: {  	s5 =	simm.s32 $_scs_section_size  }
0x9b: {  	s6 =	simm.s32 $_size__tile_overlayer_lowered;
	s7 =	simm.s32 $_tile_overlayer_lowered  }
0x9c: {  	s22 =	simm.s32 $0x1BFF;
	s21 =	sshll.u32 s7, $0x1;
	s4 =	sadd.s32 s5, s19  }
0x9d: {  	s8 =	simm.s32 $0x0;
	s20 =	sshll.u32 s6, $0x1;
	s6 =	sadd.s32 s21, s4  }
0x9e: {  	[timem:s8], [sflag:s22] =	dma.local [hbm:s6], s20  }
0x9f: {  	_ =	swait.ge [sflag:s22], s20  }
0xa0: {  	s5 =	ssub.s32 $0x0, s20;
	[sflag:s22] =	ssyncset.done $0x0  }
0xa1: {  	[sflag:s22] =	ssyncadd.s32 s5;
	_ =	sdelay $0x1  }
0xa2: {  	s23 =	simm.s32 $0x1B8B  }
0xa3: {  	_ =	swait.ge [sflag:s23], $0x1  }
0xa4: {  	[sflag:s23] =	ssyncset.done $0x0  }
0xa5: {  	s25 =	simm.s32 $0x1B8E;
	s24 =	sld [smem:$0x3FFE];
	[sflag:s23] =	ssyncadd.s32 $0xFFFFFFFF  }
0xa6: {  	s26 =	simm.s32 $execute0_lowered;
	[smem:$0x3FD2] =	sst s25  }
0xa7: {  	s6 =	sshll.u32 s26, $0x1;
	_ =	strace $0x80000046;
	[dreg:$0x1] =	wrdreg $0xFFFFFFFF  }
0xa8: {  	s28 =	simm.s32 $_size_execute0_lowered;
	s4 =	sadd.s32 s4, s6;
	[dreg:$0x0] =	wrdreg $0x0  }
0xa9: {  	s6 =	sshll.u32 s28, $0x1;
	[dreg:$0x2] =	wrdreg s4  }
0xaa: {  	[dreg:$0x3] =	wrdreg s6  }
0xab: {  	[dreg:$0x4] =	wrdreg $0xC0  }
0xac: {  	_ =	task [dreg:s8], $0x5FFFF  }
0xad: {  	[dreg:$0x1] =	wrdreg $0xFFFFFFFF  }
0xae: {  	[dreg:$0x0] =	wrdreg $0x60  }
0xaf: {  	[dreg:$0x2] =	wrdreg s2  }
0xb0: {  	[dreg:$0x3] =	wrdreg s18  }
0xb1: {  	[dreg:$0x4] =	wrdreg s24  }
0xb2: {  	[dreg:$0x5] =	wrdreg $0xB7000  }
0xb3: {  	[dreg:$0x6] =	wrdreg $0x1F7000  }
0xb4: {  	[dreg:$0x7] =	wrdreg $0x9  }
0xb5: {  	_ =	task.clear_ibuf [dreg:s8], $0x8FFFF;
	_ =	strace $0x90000046  }
0xb6: {  	s29 =	simm.s32 $0x9;
	_ =	strace $0x80000048  }
0xb7: {  	_ =	swait.ge [sflag:s29], $0x1  }
0xb8: {  	[sflag:s29] =	ssyncadd.s32 $0xFFFFFFFF  }
0xb9: {  	_ =	strace $0x90000048  }
0xba: {  	_ =	sfence  }
0xbb: {  	s30 =	sld [smem:$0x0];
	_ =	sdelay $0x2  }
0xbc: {  	s31 =	sshll.u32 s1, $0xD;
	s1 =	sshrl.u32 s1, $0x2  }
0xbd: {  	s3 =	sand.u32 $0x4000, s31;
	s1 =	sadd.s32 s1, s30  }
0xbe: {  	s0 =	sor.u32 s3, s0;
	s1 =	sshll.u32 s1, $0x11  }
0xbf: {  	s0 =	sor.u32 s1, s0  }
0xc0: {  	s0 =	sadd.s32 $0x8F2B, s0  }
0xc1: {  	[sflag:s0] =	ssyncadd.remote.s32 $0x1  }
0xc2: {  	_ =	sfence.sel $0xFFFF  }
0xc3: {  	[dreg:$0x0] =	wrdreg $0xFFFFFFFF;
	(pc) =	sbr.abs _section_cstart, $3  }
0xc4: {  	[dreg:$0x1] =	wrdreg $0xFFFFFFFF  }
0xc5: {  	_ =	task.clear_ibuf [dreg:s8], $0x2FFFF;
	_ =	strace $0x9FFFFFFF  }
0xc6: {  	(tm) =	ssettm $0x7FFFFFFF  }
0xc7: {  	_ =	shalt  }
tec
execute0_lowered:
.L_overlay_start_1:
0x0: {  	(tag) =	ssettag $0x1  }
0x1: {  	s25 =	rddreg [dreg:$0x0]  }
0x2: {  	s0 =	rddreg [dreg:$0x1]  }
0x3: {  	s2 =	rddreg [dreg:$0x2];
	s12 =	stileid.u32  }
0x4: {  	s4 =	rddreg [dreg:$0x3];
	s10 =	smul.u32 $0x50000, s12  }
0x5: {  	s1 =	srdreg.scid;
	s5 =	rddreg [dreg:$0x4];
	s6 =	simm.s32 $0x0  }
0x6: {  	s3 =	sand.u32 $0x1, s1;
	s1 =	smul.u32 $0x280, s12;
	s10 =	sshrl.u32 s10, $0x2  }
0x7: {  	[smem:$0x7FF] =	sst s6;
	s13 =	smul.u32 $0x4E20, s12;
	s28 =	sadd.s32 s10, s4  }
0x8: {  	_ =	strace $0x80000047;
	s14 =	sadd.s32 $0x1000, s28;
	[dreg:$0xd] =	wrdreg s28  }
0x9: {  	s7 =	smul.u32 $0x2800, s3;
	s15 =	sadd.s32 $0x2000, s28;
	[dreg:$0xe] =	wrdreg s14  }
0xa: {  	s9 =	ssub.s32 $0x2, s3;
	s16 =	sadd.s32 $0x3000, s28;
	[dreg:$0xf] =	wrdreg s15  }
0xb: {  	s11 =	sshrl.u32 s9, $0x1;
	s17 =	sadd.s32 $0x4000, s28;
	[dreg:$0x10] =	wrdreg s16  }
0xc: {  	s7 =	sadd.s32 s1, s7;
	s18 =	sadd.s32 $0x5000, s28;
	[dreg:$0x11] =	wrdreg s17  }
0xd: {  	s8 =	sshll.u32 s7, $0x4;
	s19 =	sadd.s32 $0x6000, s28;
	[dreg:$0x12] =	wrdreg s18  }
0xe: {  	s7 =	sshrl.u32 s7, $0x3;
	s20 =	sadd.s32 $0x7000, s28;
	[dreg:$0x13] =	wrdreg s19  }
0xf: {  	s21 =	sadd.s32 $0x8000, s28;
	s23 =	sadd.s32 $0x9000, s28;
	[dreg:$0x14] =	wrdreg s20  }
0x10: {  	s8 =	sadd.s32 s8, s2;
	s2 =	sadd.s32 s7, s2;
	[dreg:$0x15] =	wrdreg s21  }
0x11: {  	s7 =	ssub.s32 s9, s11;
	[dreg:$0x16] =	wrdreg s23;
	s17 =	sadd.s32 $0xA000, s28  }
0x12: {  	s11 =	sshll.u32 s12, $0x1;
	[dreg:$0x17] =	wrdreg s17;
	s8 =	sadd.s32 $0x2400, s8  }
0x13: {  	s10 =	sor.u32 s3, s11;
	s2 =	sadd.s32 $0x1A00, s2;
	[dreg:$0x1c] =	wrdreg s8  }
0x14: {  	s3 =	smul.u32 $0x2710, s3;
	s7 =	smax.u32 s7, $0x1;
	[dreg:$0x1d] =	wrdreg s2  }
0x15: {  	s17 =	sadd.s32 $0x13000, s28;
	[dreg:$0x1e] =	wrdreg s7  }
0x16: {  	s10 =	smul.u32 $0x2710, s10;
	[smem:$0x7F4] =	sst s17;
	s3 =	sadd.s32 s3, s13  }
0x17: {  	s22 =	sadd.s32 $0x230, s3;
	s24 =	sadd.s32 $0x4E430, s3;
	s26 =	sadd.s32 $0x1E0, s3  }
0x18: {  	s14 =	sadd.s32 $0x4E3E0, s3;
	s8 =	sadd.s32 $0x140, s3;
	s9 =	sshrl.u32 s22, $0x3  }
0x19: {  	s11 =	sshrl.u32 s24, $0x3;
	s22 =	sadd.s32 $0xB000, s28;
	[dreg:$0x1f] =	wrdreg s8  }
0x1a: {  	s12 =	sshrl.u32 s26, $0x3;
	s24 =	sadd.s32 $0xC000, s28;
	[dreg:$0x18] =	wrdreg s22  }
0x1b: {  	s26 =	sshrl.u32 s10, $0x3;
	s10 =	sadd.s32 $0xE000, s28;
	[dreg:$0x19] =	wrdreg s24  }
0x1c: {  	s15 =	sshrl.u32 s14, $0x3;
	s14 =	sadd.s32 $0x10000, s28;
	[smem:$0x7EF] =	sst s10  }
0x1d: {  	s9 =	sadd.s32 s9, s0;
	[smem:$0x7F1] =	sst s14  }
0x1e: {  	s11 =	sadd.s32 s11, s0;
	[dreg:$0x6] =	wrdreg s9  }
0x1f: {  	s29 =	simm.s32 $0x80;
	s13 =	sadd.s32 s12, s0;
	[dreg:$0x7] =	wrdreg s11  }
0x20: {  	s16 =	sadd.s32 $0x190, s3;
	[dreg:$0x8] =	wrdreg s13;
	s9 =	sadd.s32 s15, s0  }
0x21: {  	s19 =	sadd.s32 $0x4E390, s3;
	s15 =	sadd.s32 $0x11000, s28;
	[dreg:$0x9] =	wrdreg s9  }
0x22: {  	s11 =	sshrl.u32 s16, $0x3;
	s16 =	sadd.s32 $0x12000, s28;
	[smem:$0x7F2] =	sst s15  }
0x23: {  	s21 =	sadd.s32 $0x4E340, s3;
	s13 =	sadd.s32 s1, s5;
	[smem:$0x7F3] =	sst s16  }
0x24: {  	s20 =	sshrl.u32 s19, $0x3;
	s18 =	sadd.s32 s11, s0;
	[dreg:$0x1a] =	wrdreg s13  }
0x25: {  	s9 =	sadd.s32 s20, s0;
	s11 =	sshrl.u32 s21, $0x3;
	[dreg:$0xa] =	wrdreg s18  }
0x26: {  	s30 =	simm.s32 $0x300;
	[dreg:$0xb] =	wrdreg s9;
	s23 =	sadd.s32 s11, s0  }
0x27: {  	s31 =	simm.s32 $0x2;
	s9 =	sadd.s32 $0xD000, s28;
	[dreg:$0xc] =	wrdreg s23  }
0x28: {  	s7 =	simm.s32 $0xB;
	s11 =	sadd.s32 $0xF000, s28;
	[smem:$0x7EE] =	sst s9  }
0x29: {  	s12 =	smov.u32 s0;
	s0 =	sadd.s32 s0, s26;
	[smem:$0x7F0] =	sst s11  }
0x2a: {  	s17 =	simm.s32 $0xC;
	s18 =	sadd.s32 $0x9C40, s0;
	[dreg:$0x1b] =	wrdreg s0  }
0x2b: {  	s8 =	simm.s32 $0xA400;
	s19 =	sadd.s32 $0xA, s0;
	[smem:$0x7F5] =	sst s18  }
0x2c: {  	s14 =	simm.s32 $0x9;
	s20 =	sadd.s32 $0x9C4A, s0;
	[smem:$0x7F6] =	sst s19  }
0x2d: {  	s10 =	simm.s32 $0x7C00;
	s21 =	sadd.s32 $0x14, s0;
	[smem:$0x7F7] =	sst s20  }
0x2e: {  	s16 =	simm.s32 $0x2C00;
	s22 =	sadd.s32 $0x9C54, s0;
	[smem:$0x7F8] =	sst s21  }
0x2f: {  	s15 =	simm.s32 $0x4;
	s23 =	sadd.s32 $0x1E, s0;
	[smem:$0x7F9] =	sst s22  }
0x30: {  	s24 =	sadd.s32 $0x9C5E, s0;
	s26 =	sadd.s32 $0x4D8, s0;
	[smem:$0x7FA] =	sst s23  }
0x31: {  	s1 =	sadd.s32 $0xA118, s0;
	s9 =	simm.s32 $0x400;
	[smem:$0x7FB] =	sst s24  }
0x32: {  	s11 =	simm.s32 $0x3;
	s0 =	simm.s32 $0x0;
	[smem:$0x7FC] =	sst s26  }
0x33: {  	[smem:$0x7FD] =	sst s1;
	s19 =	simm.s32 $0x200;
	s24 =	simm.s32 $0x1  }
0x34: {  	s26 =	simm.s32 $0x50;
	s22 =	simm.s32 $0x100;
	s1 =	simm.s32 $0x5  }
0x35: {  	v0 =	vimm.f32 $0.0e+00;
	v1 =	vimm.f32 $1.000000000e+00;
	s21 =	simm.s32 $0x5400;
	s23 =	simm.s32 $0x6;
	s20 =	simm.s32 $0xA  }
.LBB2_1:
0x36: {  	[smem:$0x7ED] =	sst s0;
	s2 =	simm.s32 $0x0;
	s18 =	simm.s32 $0x200  }
.LBB2_2:
0x37: {  	p0 =	sne.s32 s18, $0x3E00;
	[tilespmem:s2+$0xA4F0] =	vst v0  }
0x38: {  	[tilespmem:s2+$0xA480] =	vst v0  }
0x39: {  	[tilespmem:s2+$0xA490] =	vst v0  }
.Ltmp0:
0x3a: {  	[tilespmem:s2+$0xA4A0] =	vst v0;
	(pc) =	sbr.rel @p0 .LBB2_2-.Ltmp0, $4  }
0x3b: {  	[tilespmem:s2+$0xA4B0] =	vst v0  }
0x3c: {  	[tilespmem:s2+$0xA4C0] =	vst v0  }
0x3d: {  	[tilespmem:s2+$0xA4D0] =	vst v0  }
0x3e: {  	[tilespmem:s2+$0xA4E0] =	vst v0;
	s2 =	sshra.s32 s18, $0x2;
	s18 =	sadd.s32 $0x200, s18  }
0x3f: {  	[tilespmem:s2+$0xA4F0] =	vst v0  }
0x40: {  	[tilespmem:s2+$0xA480] =	vst v0  }
0x41: {  	[tilespmem:s2+$0xA490] =	vst v0  }
0x42: {  	[tilespmem:s2+$0xA4A0] =	vst v0  }
0x43: {  	[tilespmem:s2+$0xA4B0] =	vst v0  }
0x44: {  	[tilespmem:s2+$0xA4C0] =	vst v0  }
0x45: {  	[tilespmem:s2+$0xA4D0] =	vst v0  }
0x46: {  	[tilespmem:s2+$0xA4E0] =	vst v0  }
0x47: {  	[tilespmem:$0xA400] =	vst v1  }
0x48: {  	[tilespmem:$0xA410] =	vst v1  }
0x49: {  	[tilespmem:$0xA420] =	vst v1  }
0x4a: {  	[tilespmem:$0xA430] =	vst v1  }
0x4b: {  	[tilespmem:$0xA440] =	vst v1  }
0x4c: {  	[tilespmem:$0xB480] =	vst v0  }
0x4d: {  	[tilespmem:$0xB490] =	vst v0  }
0x4e: {  	[tilespmem:$0xB4A0] =	vst v0  }
0x4f: {  	[tilespmem:$0xB4B0] =	vst v0  }
0x50: {  	[tilespmem:$0xB4C0] =	vst v0  }
0x51: {  	[tilespmem:$0xB4D0] =	vst v0  }
0x52: {  	[tilespmem:$0xB4E0] =	vst v0  }
0x53: {  	[tilespmem:$0xB4F0] =	vst v0  }
0x54: {  	[tilespmem:$0xB500] =	vst v0  }
0x55: {  	[tilespmem:$0xB510] =	vst v0  }
0x56: {  	[tilespmem:$0xB520] =	vst v0  }
0x57: {  	[tilespmem:$0xB530] =	vst v0  }
0x58: {  	[tilespmem:$0xB540] =	vst v0  }
0x59: {  	[tilespmem:$0xB550] =	vst v0  }
0x5a: {  	[tilespmem:$0xB560] =	vst v0  }
0x5b: {  	[tilespmem:$0xB570] =	vst v0  }
0x5c: {  	[tilespmem:$0xB580] =	vst v0  }
0x5d: {  	[tilespmem:$0xB590] =	vst v0  }
0x5e: {  	[tilespmem:$0xB5A0] =	vst v0  }
0x5f: {  	[tilespmem:$0xB5B0] =	vst v0  }
0x60: {  	[tilespmem:$0xB5C0] =	vst v0  }
0x61: {  	[tilespmem:$0xB5D0] =	vst v0  }
0x62: {  	[tilespmem:$0xB5E0] =	vst v0  }
0x63: {  	[tilespmem:$0xB5F0] =	vst v0  }
0x64: {  	[tilespmem:$0xB600] =	vst v0  }
0x65: {  	[tilespmem:$0xB610] =	vst v0  }
0x66: {  	[tilespmem:$0xB620] =	vst v0  }
0x67: {  	[tilespmem:$0xB630] =	vst v0  }
0x68: {  	[tilespmem:$0xB640] =	vst v0  }
0x69: {  	[tilespmem:$0xB650] =	vst v0  }
0x6a: {  	[tilespmem:$0xB660] =	vst v0  }
0x6b: {  	[tilespmem:$0xB670] =	vst v0  }
0x6c: {  	[tilespmem:$0xB680] =	vst v0  }
0x6d: {  	[tilespmem:$0xB690] =	vst v0  }
0x6e: {  	[tilespmem:$0xB6A0] =	vst v0  }
0x6f: {  	[tilespmem:$0xB6B0] =	vst v0  }
0x70: {  	[tilespmem:$0xB6C0] =	vst v0  }
0x71: {  	[tilespmem:$0xB6D0] =	vst v0  }
0x72: {  	[tilespmem:$0xB6E0] =	vst v0  }
0x73: {  	s3 =	simm.s32 $0xA480;
	s18 =	simm.s32 $0xD;
	[tilespmem:$0xB6F0] =	vst v0  }
0x74: {  	[spmem:s28] =	stream.linear.scatter [tilespmem:s3], [sflag:$0xD], $0x1000, $0x38;
	[tilespmem:$0x1F980] =	vst v63  }
0x75: {  	_ =	swait.ge [sflag:s18], $0x1000  }
0x76: {  	[sflag:s18] =	ssyncset.done $0x0  }
0x77: {  	s0 =	rddreg [dreg:$0xe];
	[sflag:s18] =	ssyncadd.s32 $0xFFFFF000  }
0x78: {  	[spmem:s0] =	stream.linear.scatter [tilespmem:s3], [sflag:$0xD], $0x1000, $0x38;
	[tilespmem:$0x1F980] =	vst v63  }
0x79: {  	_ =	swait.ge [sflag:s18], $0x1000  }
0x7a: {  	[sflag:s18] =	ssyncset.done $0x0  }
0x7b: {  	s0 =	rddreg [dreg:$0xf];
	[sflag:s18] =	ssyncadd.s32 $0xFFFFF000  }
0x7c: {  	[spmem:s0] =	stream.linear.scatter [tilespmem:s3], [sflag:$0xD], $0x1000, $0x38;
	[tilespmem:$0x1F980] =	vst v63  }
0x7d: {  	_ =	swait.ge [sflag:s18], $0x1000  }
0x7e: {  	[sflag:s18] =	ssyncset.done $0x0  }
0x7f: {  	s0 =	rddreg [dreg:$0x10];
	[sflag:s18] =	ssyncadd.s32 $0xFFFFF000  }
0x80: {  	[spmem:s0] =	stream.linear.scatter [tilespmem:s3], [sflag:$0xD], $0x1000, $0x38;
	[tilespmem:$0x1F980] =	vst v63  }
0x81: {  	_ =	swait.ge [sflag:s18], $0x1000  }
0x82: {  	[sflag:s18] =	ssyncset.done $0x0  }
0x83: {  	s0 =	rddreg [dreg:$0x11];
	[sflag:s18] =	ssyncadd.s32 $0xFFFFF000  }
0x84: {  	[spmem:s0] =	stream.linear.scatter [tilespmem:s3], [sflag:$0xD], $0x1000, $0x38;
	[tilespmem:$0x1F980] =	vst v63  }
0x85: {  	_ =	swait.ge [sflag:s18], $0x1000  }
0x86: {  	[sflag:s18] =	ssyncset.done $0x0  }
0x87: {  	s0 =	rddreg [dreg:$0x12];
	[sflag:s18] =	ssyncadd.s32 $0xFFFFF000  }
0x88: {  	[spmem:s0] =	stream.linear.scatter [tilespmem:s3], [sflag:$0xD], $0x1000, $0x38;
	[tilespmem:$0x1F980] =	vst v63  }
0x89: {  	_ =	swait.ge [sflag:s18], $0x1000  }
0x8a: {  	[sflag:s18] =	ssyncset.done $0x0  }
0x8b: {  	s0 =	rddreg [dreg:$0x13];
	[sflag:s18] =	ssyncadd.s32 $0xFFFFF000  }
0x8c: {  	[spmem:s0] =	stream.linear.scatter [tilespmem:s3], [sflag:$0xD], $0x1000, $0x38;
	[tilespmem:$0x1F980] =	vst v63  }
0x8d: {  	_ =	swait.ge [sflag:s18], $0x1000  }
0x8e: {  	[sflag:s18] =	ssyncset.done $0x0  }
0x8f: {  	s0 =	rddreg [dreg:$0x14];
	[sflag:s18] =	ssyncadd.s32 $0xFFFFF000  }
0x90: {  	[spmem:s0] =	stream.linear.scatter [tilespmem:s3], [sflag:$0xD], $0x1000, $0x38;
	[tilespmem:$0x1F980] =	vst v63  }
0x91: {  	_ =	swait.ge [sflag:s18], $0x1000  }
0x92: {  	[sflag:s18] =	ssyncset.done $0x0  }
0x93: {  	s0 =	rddreg [dreg:$0x15];
	[sflag:s18] =	ssyncadd.s32 $0xFFFFF000  }
0x94: {  	[spmem:s0] =	stream.linear.scatter [tilespmem:s3], [sflag:$0xD], $0x1000, $0x38;
	[tilespmem:$0x1F980] =	vst v63  }
0x95: {  	_ =	swait.ge [sflag:s18], $0x1000  }
0x96: {  	[sflag:s18] =	ssyncset.done $0x0  }
0x97: {  	s0 =	rddreg [dreg:$0x16];
	[sflag:s18] =	ssyncadd.s32 $0xFFFFF000  }
0x98: {  	[spmem:s0] =	stream.linear.scatter [tilespmem:s3], [sflag:$0xD], $0x1000, $0x38;
	[tilespmem:$0x1F980] =	vst v63  }
0x99: {  	_ =	swait.ge [sflag:s18], $0x1000  }
0x9a: {  	[sflag:s18] =	ssyncset.done $0x0  }
0x9b: {  	s0 =	rddreg [dreg:$0x17];
	[sflag:s18] =	ssyncadd.s32 $0xFFFFF000  }
0x9c: {  	[spmem:s0] =	stream.linear.scatter [tilespmem:s3], [sflag:$0xD], $0x1000, $0x38;
	[tilespmem:$0x1F980] =	vst v63  }
0x9d: {  	_ =	swait.ge [sflag:s18], $0x1000  }
0x9e: {  	[sflag:s18] =	ssyncset.done $0x0  }
0x9f: {  	s0 =	rddreg [dreg:$0x18];
	[sflag:s18] =	ssyncadd.s32 $0xFFFFF000  }
0xa0: {  	[spmem:s0] =	stream.linear.scatter [tilespmem:s3], [sflag:$0xD], $0x1000, $0x38;
	[tilespmem:$0x1F980] =	vst v63  }
0xa1: {  	_ =	swait.ge [sflag:s18], $0x1000  }
0xa2: {  	[sflag:s18] =	ssyncset.done $0x0  }
0xa3: {  	s0 =	rddreg [dreg:$0x19];
	[sflag:s18] =	ssyncadd.s32 $0xFFFFF000  }
0xa4: {  	[spmem:s0] =	stream.linear.scatter [tilespmem:s3], [sflag:$0xD], $0x1000, $0x38;
	[tilespmem:$0x1F980] =	vst v63  }
0xa5: {  	_ =	swait.ge [sflag:s18], $0x1000  }
0xa6: {  	s0 =	sld [smem:$0x7EE]  }
0xa7: {  	[sflag:s18] =	ssyncset.done $0x0  }
0xa8: {  	[sflag:s18] =	ssyncadd.s32 $0xFFFFF000  }
0xa9: {  	[spmem:s0] =	stream.linear.scatter [tilespmem:s3], [sflag:$0xD], $0x1000, $0x38;
	[tilespmem:$0x1F980] =	vst v63  }
0xaa: {  	_ =	swait.ge [sflag:s18], $0x1000  }
0xab: {  	s0 =	sld [smem:$0x7EF]  }
0xac: {  	[sflag:s18] =	ssyncset.done $0x0  }
0xad: {  	[sflag:s18] =	ssyncadd.s32 $0xFFFFF000  }
0xae: {  	[spmem:s0] =	stream.linear.scatter [tilespmem:s3], [sflag:$0xD], $0x1000, $0x38;
	[tilespmem:$0x1F980] =	vst v63  }
0xaf: {  	_ =	swait.ge [sflag:s18], $0x1000  }
0xb0: {  	s0 =	sld [smem:$0x7F0]  }
0xb1: {  	[sflag:s18] =	ssyncset.done $0x0  }
0xb2: {  	[sflag:s18] =	ssyncadd.s32 $0xFFFFF000  }
0xb3: {  	[spmem:s0] =	stream.linear.scatter [tilespmem:s3], [sflag:$0xD], $0x1000, $0x38;
	[tilespmem:$0x1F980] =	vst v63  }
0xb4: {  	_ =	swait.ge [sflag:s18], $0x1000  }
0xb5: {  	s0 =	sld [smem:$0x7F1]  }
0xb6: {  	[sflag:s18] =	ssyncset.done $0x0  }
0xb7: {  	[sflag:s18] =	ssyncadd.s32 $0xFFFFF000  }
0xb8: {  	[spmem:s0] =	stream.linear.scatter [tilespmem:s3], [sflag:$0xD], $0x1000, $0x38;
	[tilespmem:$0x1F980] =	vst v63  }
0xb9: {  	_ =	swait.ge [sflag:s18], $0x1000  }
0xba: {  	s0 =	sld [smem:$0x7F2]  }
0xbb: {  	[sflag:s18] =	ssyncset.done $0x0  }
0xbc: {  	[sflag:s18] =	ssyncadd.s32 $0xFFFFF000  }
0xbd: {  	[spmem:s0] =	stream.linear.scatter [tilespmem:s3], [sflag:$0xD], $0x1000, $0x38;
	[tilespmem:$0x1F980] =	vst v63  }
0xbe: {  	_ =	swait.ge [sflag:s18], $0x1000  }
0xbf: {  	s0 =	sld [smem:$0x7F3]  }
0xc0: {  	[sflag:s18] =	ssyncset.done $0x0  }
0xc1: {  	[sflag:s18] =	ssyncadd.s32 $0xFFFFF000  }
0xc2: {  	[spmem:s0] =	stream.linear.scatter [tilespmem:s3], [sflag:$0xD], $0x1000, $0x38;
	[tilespmem:$0x1F980] =	vst v63  }
0xc3: {  	_ =	swait.ge [sflag:s18], $0x1000  }
0xc4: {  	s0 =	sld [smem:$0x7F4]  }
0xc5: {  	[sflag:s18] =	ssyncset.done $0x0  }
0xc6: {  	[sflag:s18] =	ssyncadd.s32 $0xFFFFF000  }
0xc7: {  	[spmem:s0] =	stream.linear.scatter [tilespmem:s3], [sflag:$0xD], $0x1000, $0x38;
	[tilespmem:$0x1F980] =	vst v63  }
0xc8: {  	_ =	swait.ge [sflag:s18], $0x1000  }
0xc9: {  	[sflag:s18] =	ssyncset.done $0x0  }
0xca: {  	s3 =	simm.s32 $0xB480;
	[sflag:s18] =	ssyncadd.s32 $0xFFFFF000  }
0xcb: {  	[spmem:s13] =	stream.linear.scatter [tilespmem:s3], [sflag:$0xD], $0x280, $0x38;
	[tilespmem:$0x1F980] =	vst v63  }
0xcc: {  	_ =	swait.ge [sflag:s18], $0x280  }
0xcd: {  	[sflag:s18] =	ssyncset.done $0x0  }
0xce: {  	[sflag:s18] =	ssyncadd.s32 $0xFFFFFD80  }
0xcf: {  	[bflag:$0x0] =	sbarrier.arrive $0xFFFF  }
0xd0: {  	s13 =	rddreg [dreg:$0x1b]  }
0xd1: {  	s2 =	simm.s32 $0x0;
	s18 =	sld [smem:$0x7F5]  }
0xd2: {  	[tilespmem:s2], [sflag:$0x1] =	stream.linear.gather [hbm4b:s13+s2], $0x50, $0x38;
	[tilespmem:$0x1F980] =	vst v63  }
0xd3: {  	s0 =	sld [smem:$0x7F6]  }
0xd4: {  	[tilespmem:s19], [sflag:$0x1] =	stream.linear.gather [hbm4b:s18+s2], $0x50, $0x38;
	[tilespmem:$0x1F980] =	vst v63  }
0xd5: {  	s13 =	sld [smem:$0x7F7]  }
0xd6: {  	[tilespmem:s29], [sflag:$0x2] =	stream.linear.gather [hbm4b:s0+s2], $0x50, $0x38;
	[tilespmem:$0x1F980] =	vst v63  }
0xd7: {  	s28 =	simm.s32 $0x280  }
0xd8: {  	[tilespmem:s28], [sflag:$0x2] =	stream.linear.gather [hbm4b:s13+s2], $0x50, $0x38;
	[tilespmem:$0x1F980] =	vst v63  }
0xd9: {  	_ =	swait.ge [sflag:s24], $0x50  }
0xda: {  	[sflag:s24] =	ssyncset.done $0x0  }
0xdb: {  	[sflag:s24] =	ssyncadd.s32 $0xFFFFFFB0  }
0xdc: {  	_ =	swait.ge [sflag:s24], $0x50  }
0xdd: {  	[sflag:s24] =	ssyncset.done $0x0  }
0xde: {  	s18 =	sld [smem:$0x7F8];
	[sflag:s24] =	ssyncadd.s32 $0xFFFFFFB0  }
0xdf: {  	[tilespmem:s9], [sflag:$0x5] =	stream.indirect.gather [hbm4b:s25+s26], $0x80, s2, s26, $0xb8;
	[tilespmem:$0x1F980] =	vst v63  }
0xe0: {  	s0 =	sld [smem:$0x7F9]  }
0xe1: {  	[tilespmem:s22], [sflag:$0x3] =	stream.linear.gather [hbm4b:s18+s2], $0x50, $0x38;
	[tilespmem:$0x1F980] =	vst v63  }
0xe2: {  	_ = 	snop  }
0xe3: {  	[tilespmem:s30], [sflag:$0x3] =	stream.linear.gather [hbm4b:s0+s2], $0x50, $0x38;
	[tilespmem:$0x1F980] =	vst v63  }
0xe4: {  	_ =	swait.ge [sflag:s31], $0x50  }
0xe5: {  	[sflag:s31] =	ssyncset.done $0x0  }
0xe6: {  	[sflag:s31] =	ssyncadd.s32 $0xFFFFFFB0  }
0xe7: {  	_ =	swait.ge [sflag:s31], $0x50  }
0xe8: {  	[sflag:s31] =	ssyncset.done $0x0  }
0xe9: {  	[sflag:s31] =	ssyncadd.s32 $0xFFFFFFB0  }
0xea: {  	[tilespmem:s16], [sflag:$0x6] =	stream.indirect.gather [hbm4b:s25+s26], $0x80, s29, s26, $0xb8;
	[tilespmem:$0x1F980] =	vst v63  }
0xeb: {  	_ =	swait.ge [sflag:s1], $0x2800  }
0xec: {  	[sflag:s1] =	ssyncset.done $0x0  }
0xed: {  	[sflag:s1] =	ssyncadd.s32 $0xFFFFD800  }
0xee: {  	[spmem:s4] =	stream.indirect.scatter.add.f32 [tilespmem:s9], [sflag:$0x9], $0x80, s19, s26, $0xb8;
	[tilespmem:$0x1F980] =	vst v63  }
0xef: {  	s13 =	sld [smem:$0x7FA]  }
0xf0: {  	[spmem:s5] =	stream.indirect.scatter.add.f32 [tilespmem:s8], [sflag:$0x9], $0x1, s19, s26, $0xb8;
	[tilespmem:$0x1F980] =	vst v63  }
0xf1: {  	s0 =	simm.s32 $0x180;
	s18 =	sld [smem:$0x7FB]  }
0xf2: {  	[tilespmem:s0], [sflag:$0x4] =	stream.linear.gather [hbm4b:s13+s2], $0x50, $0x38;
	[tilespmem:$0x1F980] =	vst v63  }
0xf3: {  	s13 =	simm.s32 $0x380  }
0xf4: {  	[tilespmem:s13], [sflag:$0x4] =	stream.linear.gather [hbm4b:s18+s2], $0x50, $0x38;
	[tilespmem:$0x1F980] =	vst v63  }
0xf5: {  	_ =	swait.ge [sflag:s11], $0x50  }
0xf6: {  	[sflag:s11] =	ssyncset.done $0x0  }
0xf7: {  	[sflag:s11] =	ssyncadd.s32 $0xFFFFFFB0  }
0xf8: {  	_ =	swait.ge [sflag:s11], $0x50  }
0xf9: {  	[sflag:s11] =	ssyncset.done $0x0  }
0xfa: {  	[sflag:s11] =	ssyncadd.s32 $0xFFFFFFB0  }
0xfb: {  	[tilespmem:s21], [sflag:$0x7] =	stream.indirect.gather [hbm4b:s25+s26], $0x80, s22, s26, $0xb8;
	[tilespmem:$0x1F980] =	vst v63  }
0xfc: {  	_ =	swait.ge [sflag:s23], $0x2800  }
0xfd: {  	[sflag:s23] =	ssyncset.done $0x0  }
0xfe: {  	[sflag:s23] =	ssyncadd.s32 $0xFFFFD800  }
0xff: {  	[spmem:s4] =	stream.indirect.scatter.add.f32 [tilespmem:s16], [sflag:$0xA], $0x80, s28, s26, $0xb8;
	[tilespmem:$0x1F980] =	vst v63  }
0x100: {  	_ = 	snop  }
0x101: {  	[spmem:s5] =	stream.indirect.scatter.add.f32 [tilespmem:s8], [sflag:$0xA], $0x1, s28, s26, $0xb8;
	[tilespmem:$0x1F980] =	vst v63  }
0x102: {  	_ =	swait.ge [sflag:s14], $0x2800  }
0x103: {  	[sflag:s14] =	ssyncset.done $0x0  }
0x104: {  	[sflag:s14] =	ssyncadd.s32 $0xFFFFD800  }
0x105: {  	_ =	swait.ge [sflag:s14], $0x50  }
0x106: {  	s3 =	rddreg [dreg:$0x1f]  }
0x107: {  	[sflag:s14] =	ssyncset.done $0x0;
	s2 =	sshrl.u32 s3, $0x3  }
0x108: {  	s18 =	rddreg [dreg:$0xc];
	[sflag:s14] =	ssyncadd.s32 $0xFFFFFFB0;
	s2 =	sadd.s32 s12, s2  }
0x109: {  	[tilespmem:s6], [sflag:$0x1] =	stream.linear.gather [hbm4b:s2+s6], $0x50, $0x38;
	[tilespmem:$0x1F980] =	vst v63  }
0x10a: {  	s18 =	sadd.s32 $0x0, s18  }
0x10b: {  	[tilespmem:s19], [sflag:$0x1] =	stream.linear.gather [hbm4b:s18+s6], $0x50, $0x38;
	[tilespmem:$0x1F980] =	vst v63  }
0x10c: {  	_ =	swait.ge [sflag:s15], $0x50  }
0x10d: {  	[sflag:s15] =	ssyncset.done $0x0  }
0x10e: {  	[sflag:s15] =	ssyncadd.s32 $0xFFFFFFB0  }
0x10f: {  	_ =	swait.ge [sflag:s15], $0x50  }
0x110: {  	[sflag:s15] =	ssyncset.done $0x0  }
0x111: {  	s0 =	simm.s32 $0x180;
	s2 =	simm.s32 $0x7;
	[sflag:s15] =	ssyncadd.s32 $0xFFFFFFB0  }
0x112: {  	[tilespmem:s10], [sflag:$0x8] =	stream.indirect.gather [hbm4b:s25+s26], $0x80, s0, s26, $0xb8;
	[tilespmem:$0x1F980] =	vst v63  }
0x113: {  	_ =	swait.ge [sflag:s2], $0x2800  }
0x114: {  	[sflag:s2] =	ssyncset.done $0x0  }
0x115: {  	[sflag:s2] =	ssyncadd.s32 $0xFFFFD800  }
0x116: {  	[spmem:s4] =	stream.indirect.scatter.add.f32 [tilespmem:s21], [sflag:$0xB], $0x80, s30, s26, $0xb8;
	[tilespmem:$0x1F980] =	vst v63  }
0x117: {  	_ = 	snop  }
0x118: {  	[spmem:s5] =	stream.indirect.scatter.add.f32 [tilespmem:s8], [sflag:$0xB], $0x1, s30, s26, $0xb8;
	[tilespmem:$0x1F980] =	vst v63  }
0x119: {  	_ =	swait.ge [sflag:s20], $0x2800  }
0x11a: {  	[sflag:s20] =	ssyncset.done $0x0  }
0x11b: {  	[sflag:s20] =	ssyncadd.s32 $0xFFFFD800  }
0x11c: {  	_ =	swait.ge [sflag:s20], $0x50  }
0x11d: {  	s18 =	rddreg [dreg:$0xa];
	[sflag:s20] =	ssyncset.done $0x0  }
0x11e: {  	s0 =	rddreg [dreg:$0xb];
	[sflag:s20] =	ssyncadd.s32 $0xFFFFFFB0;
	s2 =	sadd.s32 $0x0, s18  }
0x11f: {  	[tilespmem:s29], [sflag:$0x2] =	stream.linear.gather [hbm4b:s2+s6], $0x50, $0x38;
	[tilespmem:$0x1F980] =	vst v63  }
0x120: {  	s18 =	sadd.s32 $0x0, s0  }
0x121: {  	[tilespmem:s28], [sflag:$0x2] =	stream.linear.gather [hbm4b:s18+s6], $0x50, $0x38;
	[tilespmem:$0x1F980] =	vst v63  }
0x122: {  	_ =	swait.ge [sflag:s24], $0x50  }
0x123: {  	[sflag:s24] =	ssyncset.done $0x0  }
0x124: {  	[sflag:s24] =	ssyncadd.s32 $0xFFFFFFB0  }
0x125: {  	_ =	swait.ge [sflag:s24], $0x50  }
0x126: {  	[sflag:s24] =	ssyncset.done $0x0  }
0x127: {  	[sflag:s24] =	ssyncadd.s32 $0xFFFFFFB0;
	s24 =	simm.s32 $0x8  }
0x128: {  	[tilespmem:s9], [sflag:$0x5] =	stream.indirect.gather [hbm4b:s25+s26], $0x80, s6, s26, $0xb8;
	[tilespmem:$0x1F980] =	vst v63  }
0x129: {  	_ =	swait.ge [sflag:s24], $0x2800  }
0x12a: {  	[sflag:s24] =	ssyncset.done $0x0  }
0x12b: {  	[sflag:s24] =	ssyncadd.s32 $0xFFFFD800  }
0x12c: {  	[spmem:s4] =	stream.indirect.scatter.add.f32 [tilespmem:s10], [sflag:$0xC], $0x80, s13, s26, $0xb8;
	[tilespmem:$0x1F980] =	vst v63  }
0x12d: {  	_ = 	snop  }
0x12e: {  	[spmem:s5] =	stream.indirect.scatter.add.f32 [tilespmem:s8], [sflag:$0xC], $0x1, s13, s26, $0xb8;
	[tilespmem:$0x1F980] =	vst v63  }
0x12f: {  	_ =	swait.ge [sflag:s7], $0x2800  }
0x130: {  	[sflag:s7] =	ssyncset.done $0x0  }
0x131: {  	[sflag:s7] =	ssyncadd.s32 $0xFFFFD800  }
0x132: {  	_ =	swait.ge [sflag:s7], $0x50  }
0x133: {  	s0 =	rddreg [dreg:$0x8];
	[sflag:s7] =	ssyncset.done $0x0  }
0x134: {  	s10 =	rddreg [dreg:$0x9];
	[sflag:s7] =	ssyncadd.s32 $0xFFFFFFB0;
	s2 =	sadd.s32 $0x0, s0  }
0x135: {  	[tilespmem:s22], [sflag:$0x3] =	stream.linear.gather [hbm4b:s2+s6], $0x50, $0x38;
	[tilespmem:$0x1F980] =	vst v63  }
0x136: {  	s18 =	sadd.s32 $0x0, s10  }
0x137: {  	[tilespmem:s30], [sflag:$0x3] =	stream.linear.gather [hbm4b:s18+s6], $0x50, $0x38;
	[tilespmem:$0x1F980] =	vst v63  }
0x138: {  	_ =	swait.ge [sflag:s31], $0x50  }
0x139: {  	[sflag:s31] =	ssyncset.done $0x0  }
0x13a: {  	[sflag:s31] =	ssyncadd.s32 $0xFFFFFFB0  }
0x13b: {  	_ =	swait.ge [sflag:s31], $0x50  }
0x13c: {  	[sflag:s31] =	ssyncset.done $0x0  }
0x13d: {  	[sflag:s31] =	ssyncadd.s32 $0xFFFFFFB0  }
0x13e: {  	[tilespmem:s16], [sflag:$0x6] =	stream.indirect.gather [hbm4b:s25+s26], $0x80, s29, s26, $0xb8;
	[tilespmem:$0x1F980] =	vst v63  }
0x13f: {  	_ =	swait.ge [sflag:s1], $0x2800  }
0x140: {  	[sflag:s1] =	ssyncset.done $0x0  }
0x141: {  	[sflag:s1] =	ssyncadd.s32 $0xFFFFD800  }
0x142: {  	[spmem:s4] =	stream.indirect.scatter.add.f32 [tilespmem:s9], [sflag:$0x9], $0x80, s19, s26, $0xb8;
	[tilespmem:$0x1F980] =	vst v63  }
0x143: {  	_ = 	snop  }
0x144: {  	[spmem:s5] =	stream.indirect.scatter.add.f32 [tilespmem:s8], [sflag:$0x9], $0x1, s19, s26, $0xb8;
	[tilespmem:$0x1F980] =	vst v63  }
0x145: {  	_ =	swait.ge [sflag:s17], $0x2800  }
0x146: {  	[sflag:s17] =	ssyncset.done $0x0  }
0x147: {  	[sflag:s17] =	ssyncadd.s32 $0xFFFFD800  }
0x148: {  	_ =	swait.ge [sflag:s17], $0x50  }
0x149: {  	s12 =	simm.s32 $0x180;
	s24 =	rddreg [dreg:$0x6];
	[sflag:s17] =	ssyncset.done $0x0  }
0x14a: {  	s29 =	rddreg [dreg:$0x7];
	[sflag:s17] =	ssyncadd.s32 $0xFFFFFFB0;
	s2 =	sadd.s32 $0x0, s24  }
0x14b: {  	[tilespmem:s12], [sflag:$0x4] =	stream.linear.gather [hbm4b:s2+s6], $0x50, $0x38;
	[tilespmem:$0x1F980] =	vst v63  }
0x14c: {  	s30 =	sadd.s32 $0x0, s29  }
0x14d: {  	[tilespmem:s13], [sflag:$0x4] =	stream.linear.gather [hbm4b:s30+s6], $0x50, $0x38;
	[tilespmem:$0x1F980] =	vst v63  }
0x14e: {  	_ =	swait.ge [sflag:s11], $0x50  }
0x14f: {  	[sflag:s11] =	ssyncset.done $0x0  }
0x150: {  	[sflag:s11] =	ssyncadd.s32 $0xFFFFFFB0  }
0x151: {  	_ =	swait.ge [sflag:s11], $0x50  }
0x152: {  	[sflag:s11] =	ssyncset.done $0x0  }
0x153: {  	s18 =	simm.s32 $0x28;
	s31 =	simm.s32 $0x1;
	[sflag:s11] =	ssyncadd.s32 $0xFFFFFFB0  }
0x154: {  	[tilespmem:s21], [sflag:$0x7] =	stream.indirect.gather [hbm4b:s25+s26], $0x80, s22, s26, $0xb8;
	[tilespmem:$0x1F980] =	vst v63  }
0x155: {  	s2 =	sadd.s32 $0x140, s3;
	s3 =	simm.s32 $0xA400;
	_ =	swait.ge [sflag:s23], $0x2800  }
0x156: {  	s12 =	simm.s32 $0x3;
	s11 =	simm.s32 $0x2;
	[sflag:s23] =	ssyncset.done $0x0  }
0x157: {  	s21 =	simm.s32 $0x6;
	[sflag:s23] =	ssyncadd.s32 $0xFFFFD800;
	s23 =	simm.s32 $0x200  }
0x158: {  	[spmem:s4] =	stream.indirect.scatter.add.f32 [tilespmem:s16], [sflag:$0xA], $0x80, s28, s26, $0xb8;
	[tilespmem:$0x1F980] =	vst v63  }
.LBB2_4:
0x159: {  	[spmem:s5] =	stream.indirect.scatter.add.f32 [tilespmem:s3], [sflag:$0xA], $0x1, s28, s26, $0xb8;
	[tilespmem:$0x1F980] =	vst v63  }
0x15a: {  	_ =	swait.ge [sflag:s14], $0x2800  }
0x15b: {  	[sflag:s14] =	ssyncset.done $0x0  }
0x15c: {  	[sflag:s14] =	ssyncadd.s32 $0xFFFFD800  }
0x15d: {  	_ =	swait.ge [sflag:s14], $0x50  }
0x15e: {  	[sflag:s14] =	ssyncset.done $0x0  }
0x15f: {  	[sflag:s14] =	ssyncadd.s32 $0xFFFFFFB0  }
0x160: {  	s28 =	sshrl.u32 s2, $0x3;
	s8 =	rddreg [dreg:$0x1]  }
0x161: {  	s22 =	smov.u32 s18;
	s29 =	rddreg [dreg:$0xc];
	s28 =	sadd.s32 s8, s28  }
0x162: {  	[tilespmem:s6], [sflag:$0x1] =	stream.linear.gather [hbm4b:s28+s6], $0x50, $0x38;
	[tilespmem:$0x1F980] =	vst v63  }
0x163: {  	s28 =	sadd.s32 s22, s29  }
0x164: {  	[tilespmem:s23], [sflag:$0x1] =	stream.linear.gather [hbm4b:s28+s6], $0x50, $0x38;
	[tilespmem:$0x1F980] =	vst v63  }
0x165: {  	_ =	swait.ge [sflag:s15], $0x50  }
0x166: {  	[sflag:s15] =	ssyncset.done $0x0  }
0x167: {  	[sflag:s15] =	ssyncadd.s32 $0xFFFFFFB0  }
0x168: {  	_ =	swait.ge [sflag:s15], $0x50  }
0x169: {  	s9 =	simm.s32 $0x7C00;
	[sflag:s15] =	ssyncset.done $0x0  }
0x16a: {  	s0 =	simm.s32 $0x7;
	s8 =	simm.s32 $0x180;
	[sflag:s15] =	ssyncadd.s32 $0xFFFFFFB0  }
0x16b: {  	[tilespmem:s9], [sflag:$0x8] =	stream.indirect.gather [hbm4b:s25+s26], $0x80, s8, s26, $0xb8;
	[tilespmem:$0x1F980] =	vst v63  }
0x16c: {  	_ =	swait.ge [sflag:s0], $0x2800  }
0x16d: {  	[sflag:s0] =	ssyncset.done $0x0  }
0x16e: {  	s1 =	simm.s32 $0x300;
	s16 =	simm.s32 $0x5400;
	[sflag:s0] =	ssyncadd.s32 $0xFFFFD800  }
0x16f: {  	[spmem:s4] =	stream.indirect.scatter.add.f32 [tilespmem:s16], [sflag:$0xB], $0x80, s1, s26, $0xb8;
	[tilespmem:$0x1F980] =	vst v63  }
0x170: {  	_ = 	snop  }
0x171: {  	[spmem:s5] =	stream.indirect.scatter.add.f32 [tilespmem:s3], [sflag:$0xB], $0x1, s1, s26, $0xb8;
	[tilespmem:$0x1F980] =	vst v63  }
0x172: {  	_ =	swait.ge [sflag:s20], $0x2800  }
0x173: {  	[sflag:s20] =	ssyncset.done $0x0  }
0x174: {  	[sflag:s20] =	ssyncadd.s32 $0xFFFFD800  }
0x175: {  	_ =	swait.ge [sflag:s20], $0x50  }
0x176: {  	s24 =	simm.s32 $0x80;
	s28 =	rddreg [dreg:$0xa];
	[sflag:s20] =	ssyncset.done $0x0  }
0x177: {  	s19 =	rddreg [dreg:$0xb];
	[sflag:s20] =	ssyncadd.s32 $0xFFFFFFB0;
	s28 =	sadd.s32 s22, s28  }
0x178: {  	[tilespmem:s24], [sflag:$0x2] =	stream.linear.gather [hbm4b:s28+s6], $0x50, $0x38;
	[tilespmem:$0x1F980] =	vst v63  }
0x179: {  	s30 =	simm.s32 $0x280;
	s28 =	sadd.s32 s22, s19  }
0x17a: {  	[tilespmem:s30], [sflag:$0x2] =	stream.linear.gather [hbm4b:s28+s6], $0x50, $0x38;
	[tilespmem:$0x1F980] =	vst v63  }
0x17b: {  	_ =	swait.ge [sflag:s31], $0x50  }
0x17c: {  	[sflag:s31] =	ssyncset.done $0x0  }
0x17d: {  	[sflag:s31] =	ssyncadd.s32 $0xFFFFFFB0  }
0x17e: {  	_ =	swait.ge [sflag:s31], $0x50  }
0x17f: {  	[sflag:s31] =	ssyncset.done $0x0  }
0x180: {  	s13 =	simm.s32 $0x400;
	s29 =	simm.s32 $0x8;
	[sflag:s31] =	ssyncadd.s32 $0xFFFFFFB0  }
0x181: {  	[tilespmem:s13], [sflag:$0x5] =	stream.indirect.gather [hbm4b:s25+s26], $0x80, s6, s26, $0xb8;
	[tilespmem:$0x1F980] =	vst v63  }
0x182: {  	_ =	swait.ge [sflag:s29], $0x2800  }
0x183: {  	[sflag:s29] =	ssyncset.done $0x0  }
0x184: {  	s10 =	simm.s32 $0x380;
	[sflag:s29] =	ssyncadd.s32 $0xFFFFD800  }
0x185: {  	[spmem:s4] =	stream.indirect.scatter.add.f32 [tilespmem:s9], [sflag:$0xC], $0x80, s10, s26, $0xb8;
	[tilespmem:$0x1F980] =	vst v63  }
0x186: {  	_ = 	snop  }
0x187: {  	[spmem:s5] =	stream.indirect.scatter.add.f32 [tilespmem:s3], [sflag:$0xC], $0x1, s10, s26, $0xb8;
	[tilespmem:$0x1F980] =	vst v63  }
0x188: {  	_ =	swait.ge [sflag:s7], $0x2800  }
0x189: {  	[sflag:s7] =	ssyncset.done $0x0  }
0x18a: {  	[sflag:s7] =	ssyncadd.s32 $0xFFFFD800  }
0x18b: {  	_ =	swait.ge [sflag:s7], $0x50  }
0x18c: {  	s19 =	simm.s32 $0x100;
	s28 =	rddreg [dreg:$0x8];
	[sflag:s7] =	ssyncset.done $0x0  }
0x18d: {  	s9 =	rddreg [dreg:$0x9];
	[sflag:s7] =	ssyncadd.s32 $0xFFFFFFB0;
	s28 =	sadd.s32 s22, s28  }
0x18e: {  	[tilespmem:s19], [sflag:$0x3] =	stream.linear.gather [hbm4b:s28+s6], $0x50, $0x38;
	[tilespmem:$0x1F980] =	vst v63  }
0x18f: {  	s30 =	simm.s32 $0x300;
	s28 =	sadd.s32 s22, s9  }
0x190: {  	[tilespmem:s30], [sflag:$0x3] =	stream.linear.gather [hbm4b:s28+s6], $0x50, $0x38;
	[tilespmem:$0x1F980] =	vst v63  }
0x191: {  	_ =	swait.ge [sflag:s11], $0x50  }
0x192: {  	[sflag:s11] =	ssyncset.done $0x0  }
0x193: {  	[sflag:s11] =	ssyncadd.s32 $0xFFFFFFB0  }
0x194: {  	_ =	swait.ge [sflag:s11], $0x50  }
0x195: {  	[sflag:s11] =	ssyncset.done $0x0  }
0x196: {  	s0 =	simm.s32 $0x2C00;
	s1 =	simm.s32 $0x5;
	[sflag:s11] =	ssyncadd.s32 $0xFFFFFFB0  }
0x197: {  	[tilespmem:s0], [sflag:$0x6] =	stream.indirect.gather [hbm4b:s25+s26], $0x80, s24, s26, $0xb8;
	[tilespmem:$0x1F980] =	vst v63  }
0x198: {  	_ =	swait.ge [sflag:s1], $0x2800  }
0x199: {  	[sflag:s1] =	ssyncset.done $0x0  }
0x19a: {  	[sflag:s1] =	ssyncadd.s32 $0xFFFFD800  }
0x19b: {  	[spmem:s4] =	stream.indirect.scatter.add.f32 [tilespmem:s13], [sflag:$0x9], $0x80, s23, s26, $0xb8;
	[tilespmem:$0x1F980] =	vst v63  }
0x19c: {  	_ = 	snop  }
0x19d: {  	[spmem:s5] =	stream.indirect.scatter.add.f32 [tilespmem:s3], [sflag:$0x9], $0x1, s23, s26, $0xb8;
	[tilespmem:$0x1F980] =	vst v63  }
0x19e: {  	_ =	swait.ge [sflag:s17], $0x2800  }
0x19f: {  	[sflag:s17] =	ssyncset.done $0x0  }
0x1a0: {  	[sflag:s17] =	ssyncadd.s32 $0xFFFFD800  }
0x1a1: {  	_ =	swait.ge [sflag:s17], $0x50  }
0x1a2: {  	s28 =	rddreg [dreg:$0x6];
	[sflag:s17] =	ssyncset.done $0x0  }
0x1a3: {  	s24 =	rddreg [dreg:$0x7];
	[sflag:s17] =	ssyncadd.s32 $0xFFFFFFB0;
	s28 =	sadd.s32 s22, s28  }
0x1a4: {  	[tilespmem:s8], [sflag:$0x4] =	stream.linear.gather [hbm4b:s28+s6], $0x50, $0x38;
	[tilespmem:$0x1F980] =	vst v63  }
0x1a5: {  	s22 =	sadd.s32 s22, s24  }
0x1a6: {  	[tilespmem:s10], [sflag:$0x4] =	stream.linear.gather [hbm4b:s22+s6], $0x50, $0x38;
	[tilespmem:$0x1F980] =	vst v63  }
0x1a7: {  	_ =	swait.ge [sflag:s12], $0x50  }
0x1a8: {  	[sflag:s12] =	ssyncset.done $0x0  }
0x1a9: {  	[sflag:s12] =	ssyncadd.s32 $0xFFFFFFB0  }
0x1aa: {  	_ =	swait.ge [sflag:s12], $0x50  }
0x1ab: {  	[sflag:s12] =	ssyncset.done $0x0  }
0x1ac: {  	p0 =	sne.s32 s18, $0x488;
	[sflag:s12] =	ssyncadd.s32 $0xFFFFFFB0  }
0x1ad: {  	[tilespmem:s16], [sflag:$0x7] =	stream.indirect.gather [hbm4b:s25+s26], $0x80, s19, s26, $0xb8;
	[tilespmem:$0x1F980] =	vst v63  }
.Ltmp1:
0x1ae: {  	_ = 	snop;
	(pc) =	sbr.rel @p0 .LBB2_4-.Ltmp1, $4  }
0x1af: {  	s18 =	sadd.s32 $0x28, s18;
	_ =	swait.ge [sflag:s21], $0x2800  }
0x1b0: {  	s2 =	sadd.s32 $0x140, s2;
	s9 =	simm.s32 $0x5400;
	[sflag:s21] =	ssyncset.done $0x0  }
0x1b1: {  	s13 =	simm.s32 $0x180;
	s28 =	simm.s32 $0x280;
	[sflag:s21] =	ssyncadd.s32 $0xFFFFD800  }
0x1b2: {  	[spmem:s4] =	stream.indirect.scatter.add.f32 [tilespmem:s0], [sflag:$0xA], $0x80, s28, s26, $0xb8;
	[tilespmem:$0x1F980] =	vst v63  }
0x1b3: {  	[spmem:s5] =	stream.indirect.scatter.add.f32 [tilespmem:s3], [sflag:$0xA], $0x1, s28, s26, $0xb8;
	[tilespmem:$0x1F980] =	vst v63  }
0x1b4: {  	_ =	swait.ge [sflag:s14], $0x2800  }
0x1b5: {  	[sflag:s14] =	ssyncset.done $0x0  }
0x1b6: {  	[sflag:s14] =	ssyncadd.s32 $0xFFFFD800  }
0x1b7: {  	_ =	swait.ge [sflag:s14], $0x50  }
0x1b8: {  	s2 =	sld [smem:$0x7FC]  }
0x1b9: {  	[sflag:s14] =	ssyncset.done $0x0  }
0x1ba: {  	s11 =	sld [smem:$0x7FD];
	[sflag:s14] =	ssyncadd.s32 $0xFFFFFFB0  }
0x1bb: {  	[tilespmem:s6], [sflag:$0x1] =	stream.linear.gather [hbm4b:s2+s6], $0x50, $0x38;
	[tilespmem:$0x1F980] =	vst v63  }
0x1bc: {  	_ = 	snop  }
0x1bd: {  	[tilespmem:s23], [sflag:$0x1] =	stream.linear.gather [hbm4b:s11+s6], $0x50, $0x38;
	[tilespmem:$0x1F980] =	vst v63  }
0x1be: {  	_ =	swait.ge [sflag:s15], $0x50  }
0x1bf: {  	[sflag:s15] =	ssyncset.done $0x0  }
0x1c0: {  	[sflag:s15] =	ssyncadd.s32 $0xFFFFFFB0  }
0x1c1: {  	_ =	swait.ge [sflag:s15], $0x50  }
0x1c2: {  	[sflag:s15] =	ssyncset.done $0x0  }
0x1c3: {  	s8 =	simm.s32 $0x7C00;
	s0 =	simm.s32 $0x7;
	[sflag:s15] =	ssyncadd.s32 $0xFFFFFFB0  }
0x1c4: {  	[tilespmem:s8], [sflag:$0x8] =	stream.indirect.gather [hbm4b:s25+s26], $0x80, s13, s26, $0xb8;
	[tilespmem:$0x1F980] =	vst v63  }
0x1c5: {  	_ =	swait.ge [sflag:s0], $0x2800  }
0x1c6: {  	[sflag:s0] =	ssyncset.done $0x0  }
0x1c7: {  	[sflag:s0] =	ssyncadd.s32 $0xFFFFD800  }
0x1c8: {  	[spmem:s4] =	stream.indirect.scatter.add.f32 [tilespmem:s9], [sflag:$0xB], $0x80, s30, s26, $0xb8;
	[tilespmem:$0x1F980] =	vst v63  }
0x1c9: {  	_ = 	snop  }
0x1ca: {  	[spmem:s5] =	stream.indirect.scatter.add.f32 [tilespmem:s3], [sflag:$0xB], $0x1, s30, s26, $0xb8;
	[tilespmem:$0x1F980] =	vst v63  }
0x1cb: {  	_ =	swait.ge [sflag:s31], $0x50  }
0x1cc: {  	[sflag:s31] =	ssyncset.done $0x0  }
0x1cd: {  	[sflag:s31] =	ssyncadd.s32 $0xFFFFFFB0  }
0x1ce: {  	_ =	swait.ge [sflag:s31], $0x50  }
0x1cf: {  	[sflag:s31] =	ssyncset.done $0x0  }
0x1d0: {  	s12 =	simm.s32 $0x400;
	s13 =	simm.s32 $0x8;
	[sflag:s31] =	ssyncadd.s32 $0xFFFFFFB0  }
0x1d1: {  	[tilespmem:s12], [sflag:$0x5] =	stream.indirect.gather [hbm4b:s25+s26], $0x80, s6, s26, $0xb8;
	[tilespmem:$0x1F980] =	vst v63  }
0x1d2: {  	_ =	swait.ge [sflag:s13], $0x2800  }
0x1d3: {  	[sflag:s13] =	ssyncset.done $0x0  }
0x1d4: {  	s16 =	simm.s32 $0x380;
	[sflag:s13] =	ssyncadd.s32 $0xFFFFD800  }
0x1d5: {  	[spmem:s4] =	stream.indirect.scatter.add.f32 [tilespmem:s8], [sflag:$0xC], $0x80, s16, s26, $0xb8;
	[tilespmem:$0x1F980] =	vst v63  }
0x1d6: {  	_ = 	snop  }
0x1d7: {  	[spmem:s5] =	stream.indirect.scatter.add.f32 [tilespmem:s3], [sflag:$0xC], $0x1, s16, s26, $0xb8;
	[tilespmem:$0x1F980] =	vst v63  }
0x1d8: {  	_ =	swait.ge [sflag:s1], $0x2800  }
0x1d9: {  	[sflag:s1] =	ssyncset.done $0x0  }
0x1da: {  	[sflag:s1] =	ssyncadd.s32 $0xFFFFD800  }
0x1db: {  	[spmem:s4] =	stream.indirect.scatter.add.f32 [tilespmem:s12], [sflag:$0x9], $0x80, s23, s26, $0xb8;
	[tilespmem:$0x1F980] =	vst v63  }
0x1dc: {  	_ = 	snop  }
0x1dd: {  	[spmem:s5] =	stream.indirect.scatter.add.f32 [tilespmem:s3], [sflag:$0x9], $0x1, s23, s26, $0xb8;
	[tilespmem:$0x1F980] =	vst v63  }
0x1de: {  	_ =	swait.ge [sflag:s14], $0x2800  }
0x1df: {  	[sflag:s14] =	ssyncset.done $0x0  }
0x1e0: {  	[sflag:s14] =	ssyncadd.s32 $0xFFFFD800  }
0x1e1: {  	_ =	swait.ge [sflag:s14], $0x50  }
0x1e2: {  	[sflag:s14] =	ssyncset.done $0x0  }
0x1e3: {  	[sflag:s14] =	ssyncadd.s32 $0xFFFFFFB0  }
0x1e4: {  	_ =	swait.ge [sflag:s20], $0x2800  }
0x1e5: {  	[sflag:s20] =	ssyncset.done $0x0  }
0x1e6: {  	[sflag:s20] =	ssyncadd.s32 $0xFFFFD800  }
0x1e7: {  	_ =	swait.ge [sflag:s20], $0x50  }
0x1e8: {  	[sflag:s20] =	ssyncset.done $0x0  }
0x1e9: {  	[sflag:s20] =	ssyncadd.s32 $0xFFFFFFB0  }
0x1ea: {  	_ =	swait.ge [sflag:s7], $0x2800  }
0x1eb: {  	[sflag:s7] =	ssyncset.done $0x0  }
0x1ec: {  	[sflag:s7] =	ssyncadd.s32 $0xFFFFD800  }
0x1ed: {  	_ =	swait.ge [sflag:s7], $0x50  }
0x1ee: {  	[sflag:s7] =	ssyncset.done $0x0  }
0x1ef: {  	[sflag:s7] =	ssyncadd.s32 $0xFFFFFFB0  }
0x1f0: {  	_ =	swait.ge [sflag:s17], $0x2800  }
0x1f1: {  	[sflag:s17] =	ssyncset.done $0x0  }
0x1f2: {  	[sflag:s17] =	ssyncadd.s32 $0xFFFFD800  }
0x1f3: {  	_ =	swait.ge [sflag:s17], $0x50  }
0x1f4: {  	[sflag:s17] =	ssyncset.done $0x0  }
0x1f5: {  	[sflag:s17] =	ssyncadd.s32 $0xFFFFFFB0  }
0x1f6: {  	s18 =	stileid.u32;
	[bflag:$0x0] =	sbarrier.arrive $0xFFFF  }
0x1f7: {  	s29 =	simm.s32 $0xD;
	s2 =	sshll.u32 s18, $0x6;
	s28 =	rddreg [dreg:$0xd]  }
0x1f8: {  	s2 =	sor.u32 $0x1C0D, s2;
	s22 =	rddreg [dreg:$0x1c];
	s18 =	sshrl.u32 s28, $0x3  }
0x1f9: {  	[hbm:s22], [sflag:s2] =	dma.local [spmem:s18], $0x2800  }
0x1fa: {  	_ =	swait.ge [sflag:s29], $0x2800  }
0x1fb: {  	[sflag:s29] =	ssyncset.done $0x0;
	s13 =	rddreg [dreg:$0x1a]  }
0x1fc: {  	s21 =	rddreg [dreg:$0x1d];
	[sflag:s29] =	ssyncadd.s32 $0xFFFFD800;
	s19 =	sshrl.u32 s13, $0x3  }
0x1fd: {  	[hbm:s21], [sflag:s2] =	dma.local [spmem:s19], $0x50  }
0x1fe: {  	_ =	swait.ge [sflag:s29], $0x50  }
0x1ff: {  	s23 =	sld [smem:$0x7ED];
	_ =	sdelay $0x2  }
0x200: {  	s24 =	rddreg [dreg:$0x1e];
	s0 =	sadd.s32 $0x1, s23  }
0x201: {  	s10 =	simm.s32 $0x7C00;
	p0 =	sne.s32 s0, s24  }
.Ltmp2:
0x202: {  	s11 =	simm.s32 $0x3;
	s9 =	simm.s32 $0x400;
	(pc) =	sbr.rel @p0 .LBB2_1-.Ltmp2, $4  }
0x203: {  	s31 =	simm.s32 $0x2;
	s8 =	simm.s32 $0xA400;
	s16 =	simm.s32 $0x2C00  }
0x204: {  	s22 =	simm.s32 $0x100;
	s19 =	simm.s32 $0x200;
	[sflag:s29] =	ssyncset.done $0x0  }
0x205: {  	s21 =	simm.s32 $0x5400;
	[sflag:s29] =	ssyncadd.s32 $0xFFFFFFB0;
	s29 =	simm.s32 $0x80  }
0x206: {  	s12 =	rddreg [dreg:$0x1];
	s23 =	simm.s32 $0x6;
	s24 =	simm.s32 $0x1  }
0x207: {  	_ =	sfence.sel $0x180000  }
0x208: {  	[bflag:$0x0] =	sbarrier.arrive $0xFFFF  }
0x209: {  	_ =	strace $0x90000047  }
0x20a: {  	s0 =	stileid.u32;
	[bflag:$0x2] =	sbarrier.arrive $0xFFFF  }
0x20b: {  	p0 =	sne.s32 s0, $0x0;
	s0 =	rddreg [dreg:$0x5]  }
0x20c: {  	s0 =	sadd.s32 @!p0 $0x100000, s0  }
0x20d: {  	[sflag:s0] =	ssyncadd.tile.s32 @!p0 $0x1;
	_ =	shalt  }
.Lfunc_end2:
_tile_overlayer_lowered:
.L_overlay_start_2:
0x20e: {  	(tag) =	ssettag $0x2  }
0x20f: {  	s0 =	rddreg [dreg:$0x0];
	s2 =	stileid.u32  }
0x210: {  	s1 =	rddreg [dreg:$0x1];
	p0 =	sne.s32 s2, $0x0  }
0x211: {  	s3 =	rddreg [dreg:$0x2];
	[bflag:$0x3] =	sbarrier.arrive $0xFFFF;
	s2 =	simm.s32 @!p0 $0x1C0D  }
0x212: {  	[timem:s3], [sflag:s2] =	dma.local @!p0 [hbm:s0], s1  }
0x213: {  	s0 =	simm.s32 @!p0 $0xD  }
0x214: {  	_ =	swait.ge @!p0 [sflag:s0], s1  }
0x215: {  	s1 =	ssub.s32 @!p0 $0x0, s1;
	[sflag:s0] =	ssyncset.done @!p0 $0x0  }
0x216: {  	[sflag:s0] =	ssyncadd.s32 @!p0 s1  }
0x217: {  	[bflag:$0x3] =	sbarrier.arrive $0xFFFF  }
0x218: {  	_ =	shalt  }

</sc_bundles>
